<compile_context>
chip_gen: v7x
topology: tpu7x:2x2x1
jax: 0.10.2.dev20260603
libtpu: 0.0.44.dev20260713+nightly
codegen_flags: <defaults>
</compile_context>

<pallas_src>
import functools

import jax
import jax.numpy as jnp
from jax import lax
from jax.experimental import pallas as pl
from jax.experimental.pallas import tpu as pltpu
from jax.experimental.pallas import tpu_sc as plsc

LANES = 16
N_BUF = 8
CH = 16


@functools.lru_cache(maxsize=None)
def _build_sc_embed(S, B, D, n_workers):
    N = S * B
    per_w = N // n_workers
    n_ch = per_w // CH
    pos_ch = CH // B
    per_pos = per_w // B

    mesh = plsc.VectorSubcoreMesh(core_axis_name="c", subcore_axis_name="s")

    @functools.partial(
        pl.kernel,
        mesh=mesh,
        out_type=jax.ShapeDtypeStruct((S, B, D), jnp.float32),
        scratch_types=[
            pltpu.VMEM((n_ch, CH), jnp.int32),
            pltpu.VMEM((N_BUF, CH, D), jnp.float32),
            pltpu.VMEM((N_BUF, pos_ch, D), jnp.float32),
            pltpu.SemaphoreType.DMA((N_BUF,)),
            pltpu.SemaphoreType.DMA((N_BUF,)),
            pltpu.SemaphoreType.DMA((N_BUF,)),
        ],
    )
    def sc_embed(x_hbm, tok_hbm, pos_hbm, out_hbm, idx_v, tok_v, pos_v,
                 gsem, psem, osem):
        out2 = out_hbm.reshape(S * B, D)
        num_c = lax.axis_size("c")
        wid = lax.axis_index("s") * num_c + lax.axis_index("c")
        row0 = wid * per_w
        pos0 = wid * per_pos

        pltpu.sync_copy(x_hbm.at[wid], idx_v)

        H = CH // 2

        def start_in(g, p):
            pltpu.async_copy(tok_hbm.at[idx_v.at[g, pl.ds(0, H)]],
                             tok_v.at[p, pl.ds(0, H)], gsem.at[p])
            pltpu.async_copy(tok_hbm.at[idx_v.at[g, pl.ds(H, H)]],
                             tok_v.at[p, pl.ds(H, H)], gsem.at[p])
            pltpu.async_copy(
                pos_hbm.at[pl.ds(pos0 + g * pos_ch, pos_ch)], pos_v.at[p],
                psem.at[p])

        def wait_in(p):
            for h in range(2):
                pltpu.make_async_copy(
                    tok_hbm.at[idx_v.at[0, pl.ds(0, H)]],
                    tok_v.at[p, pl.ds(h * H, H)], gsem.at[p]).wait()
            pltpu.make_async_copy(
                pos_hbm.at[pl.ds(0, pos_ch)], pos_v.at[p], psem.at[p]).wait()

        def start_out(g, p):
            pltpu.async_copy(tok_v.at[p, pl.ds(0, H)],
                             out2.at[pl.ds(row0 + g * CH, H)], osem.at[p])
            pltpu.async_copy(tok_v.at[p, pl.ds(H, H)],
                             out2.at[pl.ds(row0 + g * CH + H, H)], osem.at[p])

        def wait_out(p):
            for h in range(2):
                pltpu.make_async_copy(
                    tok_v.at[p, pl.ds(h * H, H)], out2.at[pl.ds(0, H)],
                    osem.at[p]).wait()

        for g in range(N_BUF - 1):
            start_in(g, g)

        def chunk(g, carry):
            p = lax.rem(g, N_BUF)
            wait_in(p)

            def add_col(d, c):
                sl = pl.ds(d * LANES, LANES)
                pvs = [pos_v[p, r, sl] for r in range(pos_ch)]
                for r in range(pos_ch):
                    for b in range(B):
                        plsc.addupdate(tok_v.at[p, r * B + b, sl], pvs[r])
                return c

            lax.fori_loop(0, D // LANES, add_col, 0)

            @pl.when(g + N_BUF - 1 < n_ch)
            def _():
                q = lax.rem(g + N_BUF - 1, N_BUF)

                @pl.when(g >= 1)
                def _():
                    wait_out(q)

                start_in(g + N_BUF - 1, q)

            start_out(g, p)

            return carry

        lax.fori_loop(0, n_ch, chunk, 0)

        for i in range(N_BUF):
            wait_out((n_ch - N_BUF + i) % N_BUF)

    return sc_embed


def kernel(x, token_table, pos_table):
    S, B = x.shape
    D = token_table.shape[1]
    info = plsc.get_sparse_core_info()
    n_workers = info.num_cores * info.num_subcores
    xf = x.reshape(n_workers, -1, CH).astype(jnp.int32)
    return _build_sc_embed(S, B, D, n_workers)(xf, token_table, pos_table)

# --- scband reference (transcript-rebuilt; emitter-appended) ---
"""Pipeline reference for scband-transformer-combined-embed-74285754351864 (READ-ONLY COPY).

The authoritative reference and input builder live on the scoring server;
editing this copy changes nothing except your own understanding.
"""

import jax, jax.numpy as jnp
import numpy as np

EMBED_DIM = 768
NUM_EMBEDDINGS = 100000
NUM_MAX_POSITIONS = 8192
SEQ_LEN = 8192
BATCH = 4


def setup_inputs(seed: int = 0) -> dict:
    key = jax.random.key(seed)
    k1, k2, k3 = jax.random.split(key, 3)
    x = jax.random.randint(k1, (SEQ_LEN, BATCH), 0, NUM_EMBEDDINGS, dtype=jnp.int64 if jax.config.jax_enable_x64 else jnp.int32)
    token_table = jax.random.normal(k2, (NUM_EMBEDDINGS, EMBED_DIM), dtype=jnp.float32)
    pos_table = jax.random.normal(k3, (NUM_MAX_POSITIONS, EMBED_DIM), dtype=jnp.float32)
    return {"x": x, "token_table": token_table, "pos_table": pos_table}


def reference(x, token_table, pos_table):
    # TransformerTokenEmbed: ht = tokens_embeddings(x) -> [S, B, D]
    ht = jnp.take(token_table, x, axis=0)
    # TransformerPositionEmbed: positions = arange(len(x)).unsqueeze(-1) -> [S, 1]
    positions = jnp.arange(x.shape[0])[:, None]
    hp = jnp.take(pos_table, positions, axis=0)  # [S, 1, D]
    # expand_as(ht) + add; dropout is identity at inference (p applied in train mode only)
    h = jnp.broadcast_to(hp, ht.shape) + ht
    return h

if __name__ == "__main__":
    import jax
    _d = setup_inputs()
    print(jax.jit(kernel)(*tuple(_d.values())))

</pallas_src>

<mosaic_0001>
#map = affine_map<(d0, d1) -> (0, 0, 0)>
#map1 = affine_map<(d0, d1) -> (0, 0)>
module attributes {stable_mosaic.version = 14 : i64} {
  func.func @sc_embed(%arg0: i32, %arg1: i32, %arg2: memref<32x64x16xi32, #tpu.memory_space<hbm>>, %arg3: memref<100000x768xf32, #tpu.memory_space<hbm>>, %arg4: memref<8192x768xf32, #tpu.memory_space<hbm>>, %arg5: memref<8192x4x768xf32, #tpu.memory_space<hbm>>, %arg6: memref<64x16xi32, #tpu.memory_space<vmem>>, %arg7: memref<8x16x768xf32, #tpu.memory_space<vmem>>, %arg8: memref<8x4x768xf32, #tpu.memory_space<vmem>>, %arg9: memref<8x!tpu.dma_semaphore, #tpu.memory_space<semaphore_mem>>, %arg10: memref<8x!tpu.dma_semaphore, #tpu.memory_space<semaphore_mem>>, %arg11: memref<8x!tpu.dma_semaphore, #tpu.memory_space<semaphore_mem>>) attributes {dimension_semantics = [#tpu.dimension_semantics<core_parallel>, #tpu.dimension_semantics<subcore_parallel>], iteration_bounds = array<i64: 2, 16>, scalar_prefetch = 0 : i64, scratch_operands = 6 : i64, tpu.core_type = #tpu.core_type<sc_vector_subcore>, window_params = [{transform_indices = #map}, {transform_indices = #map1}, {transform_indices = #map1}, {transform_indices = #map}]} {
    %mul3A = arith.constant 2 : i32
    %mul3A_0 = arith.muli %arg1, %mul3A : i32
    %add3A = arith.addi %mul3A_0, %arg0 : i32
    %mul3A_1 = arith.constant 1024 : i32
    %mul3A_2 = arith.muli %add3A, %mul3A_1 : i32
    %mul3A_3 = arith.constant 256 : i32
    %mul3A_4 = arith.muli %add3A, %mul3A_3 : i32
    "tpu.region"() ({
      %run_scoped3A = tpu.sem_alloc : memref<!tpu.dma_semaphore, #tpu.memory_space<semaphore_mem>>
      %dma_start3A_664 = arith.constant 0 : i32
      %dma_start3A_665 = arith.constant 0 : i32
      %dma_start3A_666 = tpu.memref_slice %arg2[%add3A, %dma_start3A_664, %dma_start3A_665] : memref<32x64x16xi32, #tpu.memory_space<hbm>> -> memref<1x64x16xi32, #tpu.memory_space<hbm>>
      %dma_start3A_667 = tpu.memref_squeeze %dma_start3A_666 : memref<1x64x16xi32, #tpu.memory_space<hbm>> -> memref<64x16xi32, #tpu.memory_space<hbm>>
      %dma_start3A_668 = arith.constant 0 : i32
      %dma_start3A_669 = arith.constant 0 : i32
      %dma_start3A_670 = tpu.memref_slice %arg2[%add3A, %dma_start3A_668, %dma_start3A_669] : memref<32x64x16xi32, #tpu.memory_space<hbm>> -> memref<1x64x16xi32, #tpu.memory_space<hbm>>
      %dma_start3A_671 = tpu.memref_squeeze %dma_start3A_670 : memref<1x64x16xi32, #tpu.memory_space<hbm>> -> memref<64x16xi32, #tpu.memory_space<hbm>>
      tpu.enqueue_dma source(%dma_start3A_671 : memref<64x16xi32, #tpu.memory_space<hbm>>) target(%arg6 : memref<64x16xi32, #tpu.memory_space<vmem>>) target_semaphore(%run_scoped3A : memref<!tpu.dma_semaphore, #tpu.memory_space<semaphore_mem>>)
      %dma_wait3A_672 = arith.constant 0 : i32
      %dma_wait3A_673 = arith.constant 0 : i32
      %dma_wait3A_674 = tpu.memref_slice %arg2[%add3A, %dma_wait3A_672, %dma_wait3A_673] : memref<32x64x16xi32, #tpu.memory_space<hbm>> -> memref<1x64x16xi32, #tpu.memory_space<hbm>>
      %dma_wait3A_675 = tpu.memref_squeeze %dma_wait3A_674 : memref<1x64x16xi32, #tpu.memory_space<hbm>> -> memref<64x16xi32, #tpu.memory_space<hbm>>
      %dma_wait3A_676 = arith.constant 0 : i32
      %dma_wait3A_677 = arith.constant 0 : i32
      %dma_wait3A_678 = tpu.memref_slice %arg2[%add3A, %dma_wait3A_676, %dma_wait3A_677] : memref<32x64x16xi32, #tpu.memory_space<hbm>> -> memref<1x64x16xi32, #tpu.memory_space<hbm>>
      %dma_wait3A_679 = tpu.memref_squeeze %dma_wait3A_678 : memref<1x64x16xi32, #tpu.memory_space<hbm>> -> memref<64x16xi32, #tpu.memory_space<hbm>>
      tpu.wait_dma2 semaphore(%run_scoped3A : memref<!tpu.dma_semaphore, #tpu.memory_space<semaphore_mem>>) src(%dma_wait3A_679 : memref<64x16xi32, #tpu.memory_space<hbm>>) dst(%arg6 : memref<64x16xi32, #tpu.memory_space<vmem>>)
      tpu.yield
    }) : () -> ()
    %dma_start3A = arith.constant 0 : i32
    %dma_start3A_5 = arith.constant 0 : i32
    %dma_start3A_6 = arith.constant 0 : i32
    %dma_start3A_7 = arith.constant 0 : i32
    %dma_start3A_8 = arith.constant 0 : i32
    %dma_start3A_9 = tpu.memref_slice %arg7[%dma_start3A_5, %dma_start3A_7, %dma_start3A_8] : memref<8x16x768xf32, #tpu.memory_space<vmem>> -> memref<1x8x768xf32, #tpu.memory_space<vmem>>
    %dma_start3A_10 = tpu.memref_squeeze %dma_start3A_9 : memref<1x8x768xf32, #tpu.memory_space<vmem>> -> memref<8x768xf32, #tpu.memory_space<vmem>>
    %dma_start3A_11 = arith.constant 0 : i32
    %dma_start3A_12 = tpu.memref_slice %arg6[%dma_start3A, %dma_start3A_11] : memref<64x16xi32, #tpu.memory_space<vmem>> -> memref<1x8xi32, #tpu.memory_space<vmem>>
    %dma_start3A_13 = tpu.memref_squeeze %dma_start3A_12 : memref<1x8xi32, #tpu.memory_space<vmem>> -> memref<8xi32, #tpu.memory_space<vmem>>
    %dma_start3A_14 = arith.constant 0 : i32
    %dma_start3A_15 = arith.constant 0 : i32
    %dma_start3A_16 = tpu.memref_slice %arg3[%dma_start3A_14, %dma_start3A_15] : memref<100000x768xf32, #tpu.memory_space<hbm>> -> memref<100000x768xf32, #tpu.memory_space<hbm>>
    %dma_start3A_17 = tpu.memref_slice %arg9[%dma_start3A_6] : memref<8x!tpu.dma_semaphore, #tpu.memory_space<semaphore_mem>> -> memref<1x!tpu.dma_semaphore, #tpu.memory_space<semaphore_mem>>
    %dma_start3A_18 = tpu.memref_squeeze %dma_start3A_17 : memref<1x!tpu.dma_semaphore, #tpu.memory_space<semaphore_mem>> -> memref<!tpu.dma_semaphore, #tpu.memory_space<semaphore_mem>>
    tpu.enqueue_indirect_dma source(%dma_start3A_16 : memref<100000x768xf32, #tpu.memory_space<hbm>>) target(%dma_start3A_10 : memref<8x768xf32, #tpu.memory_space<vmem>>) offsets(%dma_start3A_13 : memref<8xi32, #tpu.memory_space<vmem>>) semaphore(%dma_start3A_18 : memref<!tpu.dma_semaphore, #tpu.memory_space<semaphore_mem>>)
    %dma_start3A_19 = arith.constant 0 : i32
    %dma_start3A_20 = arith.constant 0 : i32
    %dma_start3A_21 = arith.constant 0 : i32
    %dma_start3A_22 = arith.constant 8 : i32
    %dma_start3A_23 = arith.constant 0 : i32
    %dma_start3A_24 = tpu.memref_slice %arg7[%dma_start3A_20, %dma_start3A_22, %dma_start3A_23] : memref<8x16x768xf32, #tpu.memory_space<vmem>> -> memref<1x8x768xf32, #tpu.memory_space<vmem>>
    %dma_start3A_25 = tpu.memref_squeeze %dma_start3A_24 : memref<1x8x768xf32, #tpu.memory_space<vmem>> -> memref<8x768xf32, #tpu.memory_space<vmem>>
    %dma_start3A_26 = arith.constant 8 : i32
    %dma_start3A_27 = tpu.memref_slice %arg6[%dma_start3A_19, %dma_start3A_26] : memref<64x16xi32, #tpu.memory_space<vmem>> -> memref<1x8xi32, #tpu.memory_space<vmem>>
    %dma_start3A_28 = tpu.memref_squeeze %dma_start3A_27 : memref<1x8xi32, #tpu.memory_space<vmem>> -> memref<8xi32, #tpu.memory_space<vmem>>
    %dma_start3A_29 = arith.constant 0 : i32
    %dma_start3A_30 = arith.constant 0 : i32
    %dma_start3A_31 = tpu.memref_slice %arg3[%dma_start3A_29, %dma_start3A_30] : memref<100000x768xf32, #tpu.memory_space<hbm>> -> memref<100000x768xf32, #tpu.memory_space<hbm>>
    %dma_start3A_32 = tpu.memref_slice %arg9[%dma_start3A_21] : memref<8x!tpu.dma_semaphore, #tpu.memory_space<semaphore_mem>> -> memref<1x!tpu.dma_semaphore, #tpu.memory_space<semaphore_mem>>
    %dma_start3A_33 = tpu.memref_squeeze %dma_start3A_32 : memref<1x!tpu.dma_semaphore, #tpu.memory_space<semaphore_mem>> -> memref<!tpu.dma_semaphore, #tpu.memory_space<semaphore_mem>>
    tpu.enqueue_indirect_dma source(%dma_start3A_31 : memref<100000x768xf32, #tpu.memory_space<hbm>>) target(%dma_start3A_25 : memref<8x768xf32, #tpu.memory_space<vmem>>) offsets(%dma_start3A_28 : memref<8xi32, #tpu.memory_space<vmem>>) semaphore(%dma_start3A_33 : memref<!tpu.dma_semaphore, #tpu.memory_space<semaphore_mem>>)
    %add3A_34 = arith.constant 0 : i32
    %add3A_35 = arith.addi %mul3A_4, %add3A_34 : i32
    %dma_start3A_36 = arith.constant 0 : i32
    %dma_start3A_37 = arith.constant 0 : i32
    %dma_start3A_38 = arith.constant 0 : i32
    %dma_start3A_39 = arith.constant 0 : i32
    %dma_start3A_40 = tpu.memref_slice %arg8[%dma_start3A_36, %dma_start3A_38, %dma_start3A_39] : memref<8x4x768xf32, #tpu.memory_space<vmem>> -> memref<1x4x768xf32, #tpu.memory_space<vmem>>
    %dma_start3A_41 = tpu.memref_squeeze %dma_start3A_40 : memref<1x4x768xf32, #tpu.memory_space<vmem>> -> memref<4x768xf32, #tpu.memory_space<vmem>>
    %dma_start3A_42 = arith.constant 0 : i32
    %dma_start3A_43 = tpu.memref_slice %arg4[%add3A_35, %dma_start3A_42] : memref<8192x768xf32, #tpu.memory_space<hbm>> -> memref<4x768xf32, #tpu.memory_space<hbm>>
    %dma_start3A_44 = tpu.memref_slice %arg10[%dma_start3A_37] : memref<8x!tpu.dma_semaphore, #tpu.memory_space<semaphore_mem>> -> memref<1x!tpu.dma_semaphore, #tpu.memory_space<semaphore_mem>>
    %dma_start3A_45 = tpu.memref_squeeze %dma_start3A_44 : memref<1x!tpu.dma_semaphore, #tpu.memory_space<semaphore_mem>> -> memref<!tpu.dma_semaphore, #tpu.memory_space<semaphore_mem>>
    %dma_start3A_46 = arith.constant 0 : i32
    %dma_start3A_47 = arith.constant 0 : i32
    %dma_start3A_48 = tpu.memref_slice %arg8[%dma_start3A_36, %dma_start3A_46, %dma_start3A_47] : memref<8x4x768xf32, #tpu.memory_space<vmem>> -> memref<1x4x768xf32, #tpu.memory_space<vmem>>
    %dma_start3A_49 = tpu.memref_squeeze %dma_start3A_48 : memref<1x4x768xf32, #tpu.memory_space<vmem>> -> memref<4x768xf32, #tpu.memory_space<vmem>>
    %dma_start3A_50 = arith.constant 0 : i32
    %dma_start3A_51 = tpu.memref_slice %arg4[%add3A_35, %dma_start3A_50] : memref<8192x768xf32, #tpu.memory_space<hbm>> -> memref<4x768xf32, #tpu.memory_space<hbm>>
    tpu.enqueue_dma source(%dma_start3A_51 : memref<4x768xf32, #tpu.memory_space<hbm>>) target(%dma_start3A_49 : memref<4x768xf32, #tpu.memory_space<vmem>>) target_semaphore(%dma_start3A_45 : memref<!tpu.dma_semaphore, #tpu.memory_space<semaphore_mem>>)
    %dma_start3A_52 = arith.constant 1 : i32
    %dma_start3A_53 = arith.constant 1 : i32
    %dma_start3A_54 = arith.constant 1 : i32
    %dma_start3A_55 = arith.constant 0 : i32
    %dma_start3A_56 = arith.constant 0 : i32
    %dma_start3A_57 = tpu.memref_slice %arg7[%dma_start3A_53, %dma_start3A_55, %dma_start3A_56] : memref<8x16x768xf32, #tpu.memory_space<vmem>> -> memref<1x8x768xf32, #tpu.memory_space<vmem>>
    %dma_start3A_58 = tpu.memref_squeeze %dma_start3A_57 : memref<1x8x768xf32, #tpu.memory_space<vmem>> -> memref<8x768xf32, #tpu.memory_space<vmem>>
    %dma_start3A_59 = arith.constant 0 : i32
    %dma_start3A_60 = tpu.memref_slice %arg6[%dma_start3A_52, %dma_start3A_59] : memref<64x16xi32, #tpu.memory_space<vmem>> -> memref<1x8xi32, #tpu.memory_space<vmem>>
    %dma_start3A_61 = tpu.memref_squeeze %dma_start3A_60 : memref<1x8xi32, #tpu.memory_space<vmem>> -> memref<8xi32, #tpu.memory_space<vmem>>
    %dma_start3A_62 = arith.constant 0 : i32
    %dma_start3A_63 = arith.constant 0 : i32
    %dma_start3A_64 = tpu.memref_slice %arg3[%dma_start3A_62, %dma_start3A_63] : memref<100000x768xf32, #tpu.memory_space<hbm>> -> memref<100000x768xf32, #tpu.memory_space<hbm>>
    %dma_start3A_65 = tpu.memref_slice %arg9[%dma_start3A_54] : memref<8x!tpu.dma_semaphore, #tpu.memory_space<semaphore_mem>> -> memref<1x!tpu.dma_semaphore, #tpu.memory_space<semaphore_mem>>
    %dma_start3A_66 = tpu.memref_squeeze %dma_start3A_65 : memref<1x!tpu.dma_semaphore, #tpu.memory_space<semaphore_mem>> -> memref<!tpu.dma_semaphore, #tpu.memory_space<semaphore_mem>>
    tpu.enqueue_indirect_dma source(%dma_start3A_64 : memref<100000x768xf32, #tpu.memory_space<hbm>>) target(%dma_start3A_58 : memref<8x768xf32, #tpu.memory_space<vmem>>) offsets(%dma_start3A_61 : memref<8xi32, #tpu.memory_space<vmem>>) semaphore(%dma_start3A_66 : memref<!tpu.dma_semaphore, #tpu.memory_space<semaphore_mem>>)
    %dma_start3A_67 = arith.constant 1 : i32
    %dma_start3A_68 = arith.constant 1 : i32
    %dma_start3A_69 = arith.constant 1 : i32
    %dma_start3A_70 = arith.constant 8 : i32
    %dma_start3A_71 = arith.constant 0 : i32
    %dma_start3A_72 = tpu.memref_slice %arg7[%dma_start3A_68, %dma_start3A_70, %dma_start3A_71] : memref<8x16x768xf32, #tpu.memory_space<vmem>> -> memref<1x8x768xf32, #tpu.memory_space<vmem>>
    %dma_start3A_73 = tpu.memref_squeeze %dma_start3A_72 : memref<1x8x768xf32, #tpu.memory_space<vmem>> -> memref<8x768xf32, #tpu.memory_space<vmem>>
    %dma_start3A_74 = arith.constant 8 : i32
    %dma_start3A_75 = tpu.memref_slice %arg6[%dma_start3A_67, %dma_start3A_74] : memref<64x16xi32, #tpu.memory_space<vmem>> -> memref<1x8xi32, #tpu.memory_space<vmem>>
    %dma_start3A_76 = tpu.memref_squeeze %dma_start3A_75 : memref<1x8xi32, #tpu.memory_space<vmem>> -> memref<8xi32, #tpu.memory_space<vmem>>
    %dma_start3A_77 = arith.constant 0 : i32
    %dma_start3A_78 = arith.constant 0 : i32
    %dma_start3A_79 = tpu.memref_slice %arg3[%dma_start3A_77, %dma_start3A_78] : memref<100000x768xf32, #tpu.memory_space<hbm>> -> memref<100000x768xf32, #tpu.memory_space<hbm>>
    %dma_start3A_80 = tpu.memref_slice %arg9[%dma_start3A_69] : memref<8x!tpu.dma_semaphore, #tpu.memory_space<semaphore_mem>> -> memref<1x!tpu.dma_semaphore, #tpu.memory_space<semaphore_mem>>
    %dma_start3A_81 = tpu.memref_squeeze %dma_start3A_80 : memref<1x!tpu.dma_semaphore, #tpu.memory_space<semaphore_mem>> -> memref<!tpu.dma_semaphore, #tpu.memory_space<semaphore_mem>>
    tpu.enqueue_indirect_dma source(%dma_start3A_79 : memref<100000x768xf32, #tpu.memory_space<hbm>>) target(%dma_start3A_73 : memref<8x768xf32, #tpu.memory_space<vmem>>) offsets(%dma_start3A_76 : memref<8xi32, #tpu.memory_space<vmem>>) semaphore(%dma_start3A_81 : memref<!tpu.dma_semaphore, #tpu.memory_space<semaphore_mem>>)
    %add3A_82 = arith.constant 4 : i32
    %add3A_83 = arith.addi %mul3A_4, %add3A_82 : i32
    %dma_start3A_84 = arith.constant 1 : i32
    %dma_start3A_85 = arith.constant 1 : i32
    %dma_start3A_86 = arith.constant 0 : i32
    %dma_start3A_87 = arith.constant 0 : i32
    %dma_start3A_88 = tpu.memref_slice %arg8[%dma_start3A_84, %dma_start3A_86, %dma_start3A_87] : memref<8x4x768xf32, #tpu.memory_space<vmem>> -> memref<1x4x768xf32, #tpu.memory_space<vmem>>
    %dma_start3A_89 = tpu.memref_squeeze %dma_start3A_88 : memref<1x4x768xf32, #tpu.memory_space<vmem>> -> memref<4x768xf32, #tpu.memory_space<vmem>>
    %dma_start3A_90 = arith.constant 0 : i32
    %dma_start3A_91 = tpu.memref_slice %arg4[%add3A_83, %dma_start3A_90] : memref<8192x768xf32, #tpu.memory_space<hbm>> -> memref<4x768xf32, #tpu.memory_space<hbm>>
    %dma_start3A_92 = tpu.memref_slice %arg10[%dma_start3A_85] : memref<8x!tpu.dma_semaphore, #tpu.memory_space<semaphore_mem>> -> memref<1x!tpu.dma_semaphore, #tpu.memory_space<semaphore_mem>>
    %dma_start3A_93 = tpu.memref_squeeze %dma_start3A_92 : memref<1x!tpu.dma_semaphore, #tpu.memory_space<semaphore_mem>> -> memref<!tpu.dma_semaphore, #tpu.memory_space<semaphore_mem>>
    %dma_start3A_94 = arith.constant 0 : i32
    %dma_start3A_95 = arith.constant 0 : i32
    %dma_start3A_96 = tpu.memref_slice %arg8[%dma_start3A_84, %dma_start3A_94, %dma_start3A_95] : memref<8x4x768xf32, #tpu.memory_space<vmem>> -> memref<1x4x768xf32, #tpu.memory_space<vmem>>
    %dma_start3A_97 = tpu.memref_squeeze %dma_start3A_96 : memref<1x4x768xf32, #tpu.memory_space<vmem>> -> memref<4x768xf32, #tpu.memory_space<vmem>>
    %dma_start3A_98 = arith.constant 0 : i32
    %dma_start3A_99 = tpu.memref_slice %arg4[%add3A_83, %dma_start3A_98] : memref<8192x768xf32, #tpu.memory_space<hbm>> -> memref<4x768xf32, #tpu.memory_space<hbm>>
    tpu.enqueue_dma source(%dma_start3A_99 : memref<4x768xf32, #tpu.memory_space<hbm>>) target(%dma_start3A_97 : memref<4x768xf32, #tpu.memory_space<vmem>>) target_semaphore(%dma_start3A_93 : memref<!tpu.dma_semaphore, #tpu.memory_space<semaphore_mem>>)
    %dma_start3A_100 = arith.constant 2 : i32
    %dma_start3A_101 = arith.constant 2 : i32
    %dma_start3A_102 = arith.constant 2 : i32
    %dma_start3A_103 = arith.constant 0 : i32
    %dma_start3A_104 = arith.constant 0 : i32
    %dma_start3A_105 = tpu.memref_slice %arg7[%dma_start3A_101, %dma_start3A_103, %dma_start3A_104] : memref<8x16x768xf32, #tpu.memory_space<vmem>> -> memref<1x8x768xf32, #tpu.memory_space<vmem>>
    %dma_start3A_106 = tpu.memref_squeeze %dma_start3A_105 : memref<1x8x768xf32, #tpu.memory_space<vmem>> -> memref<8x768xf32, #tpu.memory_space<vmem>>
    %dma_start3A_107 = arith.constant 0 : i32
    %dma_start3A_108 = tpu.memref_slice %arg6[%dma_start3A_100, %dma_start3A_107] : memref<64x16xi32, #tpu.memory_space<vmem>> -> memref<1x8xi32, #tpu.memory_space<vmem>>
    %dma_start3A_109 = tpu.memref_squeeze %dma_start3A_108 : memref<1x8xi32, #tpu.memory_space<vmem>> -> memref<8xi32, #tpu.memory_space<vmem>>
    %dma_start3A_110 = arith.constant 0 : i32
    %dma_start3A_111 = arith.constant 0 : i32
    %dma_start3A_112 = tpu.memref_slice %arg3[%dma_start3A_110, %dma_start3A_111] : memref<100000x768xf32, #tpu.memory_space<hbm>> -> memref<100000x768xf32, #tpu.memory_space<hbm>>
    %dma_start3A_113 = tpu.memref_slice %arg9[%dma_start3A_102] : memref<8x!tpu.dma_semaphore, #tpu.memory_space<semaphore_mem>> -> memref<1x!tpu.dma_semaphore, #tpu.memory_space<semaphore_mem>>
    %dma_start3A_114 = tpu.memref_squeeze %dma_start3A_113 : memref<1x!tpu.dma_semaphore, #tpu.memory_space<semaphore_mem>> -> memref<!tpu.dma_semaphore, #tpu.memory_space<semaphore_mem>>
    tpu.enqueue_indirect_dma source(%dma_start3A_112 : memref<100000x768xf32, #tpu.memory_space<hbm>>) target(%dma_start3A_106 : memref<8x768xf32, #tpu.memory_space<vmem>>) offsets(%dma_start3A_109 : memref<8xi32, #tpu.memory_space<vmem>>) semaphore(%dma_start3A_114 : memref<!tpu.dma_semaphore, #tpu.memory_space<semaphore_mem>>)
    %dma_start3A_115 = arith.constant 2 : i32
    %dma_start3A_116 = arith.constant 2 : i32
    %dma_start3A_117 = arith.constant 2 : i32
    %dma_start3A_118 = arith.constant 8 : i32
    %dma_start3A_119 = arith.constant 0 : i32
    %dma_start3A_120 = tpu.memref_slice %arg7[%dma_start3A_116, %dma_start3A_118, %dma_start3A_119] : memref<8x16x768xf32, #tpu.memory_space<vmem>> -> memref<1x8x768xf32, #tpu.memory_space<vmem>>
    %dma_start3A_121 = tpu.memref_squeeze %dma_start3A_120 : memref<1x8x768xf32, #tpu.memory_space<vmem>> -> memref<8x768xf32, #tpu.memory_space<vmem>>
    %dma_start3A_122 = arith.constant 8 : i32
    %dma_start3A_123 = tpu.memref_slice %arg6[%dma_start3A_115, %dma_start3A_122] : memref<64x16xi32, #tpu.memory_space<vmem>> -> memref<1x8xi32, #tpu.memory_space<vmem>>
    %dma_start3A_124 = tpu.memref_squeeze %dma_start3A_123 : memref<1x8xi32, #tpu.memory_space<vmem>> -> memref<8xi32, #tpu.memory_space<vmem>>
    %dma_start3A_125 = arith.constant 0 : i32
    %dma_start3A_126 = arith.constant 0 : i32
    %dma_start3A_127 = tpu.memref_slice %arg3[%dma_start3A_125, %dma_start3A_126] : memref<100000x768xf32, #tpu.memory_space<hbm>> -> memref<100000x768xf32, #tpu.memory_space<hbm>>
    %dma_start3A_128 = tpu.memref_slice %arg9[%dma_start3A_117] : memref<8x!tpu.dma_semaphore, #tpu.memory_space<semaphore_mem>> -> memref<1x!tpu.dma_semaphore, #tpu.memory_space<semaphore_mem>>
    %dma_start3A_129 = tpu.memref_squeeze %dma_start3A_128 : memref<1x!tpu.dma_semaphore, #tpu.memory_space<semaphore_mem>> -> memref<!tpu.dma_semaphore, #tpu.memory_space<semaphore_mem>>
    tpu.enqueue_indirect_dma source(%dma_start3A_127 : memref<100000x768xf32, #tpu.memory_space<hbm>>) target(%dma_start3A_121 : memref<8x768xf32, #tpu.memory_space<vmem>>) offsets(%dma_start3A_124 : memref<8xi32, #tpu.memory_space<vmem>>) semaphore(%dma_start3A_129 : memref<!tpu.dma_semaphore, #tpu.memory_space<semaphore_mem>>)
    %add3A_130 = arith.constant 8 : i32
    %add3A_131 = arith.addi %mul3A_4, %add3A_130 : i32
    %dma_start3A_132 = arith.constant 2 : i32
    %dma_start3A_133 = arith.constant 2 : i32
    %dma_start3A_134 = arith.constant 0 : i32
    %dma_start3A_135 = arith.constant 0 : i32
    %dma_start3A_136 = tpu.memref_slice %arg8[%dma_start3A_132, %dma_start3A_134, %dma_start3A_135] : memref<8x4x768xf32, #tpu.memory_space<vmem>> -> memref<1x4x768xf32, #tpu.memory_space<vmem>>
    %dma_start3A_137 = tpu.memref_squeeze %dma_start3A_136 : memref<1x4x768xf32, #tpu.memory_space<vmem>> -> memref<4x768xf32, #tpu.memory_space<vmem>>
    %dma_start3A_138 = arith.constant 0 : i32
    %dma_start3A_139 = tpu.memref_slice %arg4[%add3A_131, %dma_start3A_138] : memref<8192x768xf32, #tpu.memory_space<hbm>> -> memref<4x768xf32, #tpu.memory_space<hbm>>
    %dma_start3A_140 = tpu.memref_slice %arg10[%dma_start3A_133] : memref<8x!tpu.dma_semaphore, #tpu.memory_space<semaphore_mem>> -> memref<1x!tpu.dma_semaphore, #tpu.memory_space<semaphore_mem>>
    %dma_start3A_141 = tpu.memref_squeeze %dma_start3A_140 : memref<1x!tpu.dma_semaphore, #tpu.memory_space<semaphore_mem>> -> memref<!tpu.dma_semaphore, #tpu.memory_space<semaphore_mem>>
    %dma_start3A_142 = arith.constant 0 : i32
    %dma_start3A_143 = arith.constant 0 : i32
    %dma_start3A_144 = tpu.memref_slice %arg8[%dma_start3A_132, %dma_start3A_142, %dma_start3A_143] : memref<8x4x768xf32, #tpu.memory_space<vmem>> -> memref<1x4x768xf32, #tpu.memory_space<vmem>>
    %dma_start3A_145 = tpu.memref_squeeze %dma_start3A_144 : memref<1x4x768xf32, #tpu.memory_space<vmem>> -> memref<4x768xf32, #tpu.memory_space<vmem>>
    %dma_start3A_146 = arith.constant 0 : i32
    %dma_start3A_147 = tpu.memref_slice %arg4[%add3A_131, %dma_start3A_146] : memref<8192x768xf32, #tpu.memory_space<hbm>> -> memref<4x768xf32, #tpu.memory_space<hbm>>
    tpu.enqueue_dma source(%dma_start3A_147 : memref<4x768xf32, #tpu.memory_space<hbm>>) target(%dma_start3A_145 : memref<4x768xf32, #tpu.memory_space<vmem>>) target_semaphore(%dma_start3A_141 : memref<!tpu.dma_semaphore, #tpu.memory_space<semaphore_mem>>)
    %dma_start3A_148 = arith.constant 3 : i32
    %dma_start3A_149 = arith.constant 3 : i32
    %dma_start3A_150 = arith.constant 3 : i32
    %dma_start3A_151 = arith.constant 0 : i32
    %dma_start3A_152 = arith.constant 0 : i32
    %dma_start3A_153 = tpu.memref_slice %arg7[%dma_start3A_149, %dma_start3A_151, %dma_start3A_152] : memref<8x16x768xf32, #tpu.memory_space<vmem>> -> memref<1x8x768xf32, #tpu.memory_space<vmem>>
    %dma_start3A_154 = tpu.memref_squeeze %dma_start3A_153 : memref<1x8x768xf32, #tpu.memory_space<vmem>> -> memref<8x768xf32, #tpu.memory_space<vmem>>
    %dma_start3A_155 = arith.constant 0 : i32
    %dma_start3A_156 = tpu.memref_slice %arg6[%dma_start3A_148, %dma_start3A_155] : memref<64x16xi32, #tpu.memory_space<vmem>> -> memref<1x8xi32, #tpu.memory_space<vmem>>
    %dma_start3A_157 = tpu.memref_squeeze %dma_start3A_156 : memref<1x8xi32, #tpu.memory_space<vmem>> -> memref<8xi32, #tpu.memory_space<vmem>>
    %dma_start3A_158 = arith.constant 0 : i32
    %dma_start3A_159 = arith.constant 0 : i32
    %dma_start3A_160 = tpu.memref_slice %arg3[%dma_start3A_158, %dma_start3A_159] : memref<100000x768xf32, #tpu.memory_space<hbm>> -> memref<100000x768xf32, #tpu.memory_space<hbm>>
    %dma_start3A_161 = tpu.memref_slice %arg9[%dma_start3A_150] : memref<8x!tpu.dma_semaphore, #tpu.memory_space<semaphore_mem>> -> memref<1x!tpu.dma_semaphore, #tpu.memory_space<semaphore_mem>>
    %dma_start3A_162 = tpu.memref_squeeze %dma_start3A_161 : memref<1x!tpu.dma_semaphore, #tpu.memory_space<semaphore_mem>> -> memref<!tpu.dma_semaphore, #tpu.memory_space<semaphore_mem>>
    tpu.enqueue_indirect_dma source(%dma_start3A_160 : memref<100000x768xf32, #tpu.memory_space<hbm>>) target(%dma_start3A_154 : memref<8x768xf32, #tpu.memory_space<vmem>>) offsets(%dma_start3A_157 : memref<8xi32, #tpu.memory_space<vmem>>) semaphore(%dma_start3A_162 : memref<!tpu.dma_semaphore, #tpu.memory_space<semaphore_mem>>)
    %dma_start3A_163 = arith.constant 3 : i32
    %dma_start3A_164 = arith.constant 3 : i32
    %dma_start3A_165 = arith.constant 3 : i32
    %dma_start3A_166 = arith.constant 8 : i32
    %dma_start3A_167 = arith.constant 0 : i32
    %dma_start3A_168 = tpu.memref_slice %arg7[%dma_start3A_164, %dma_start3A_166, %dma_start3A_167] : memref<8x16x768xf32, #tpu.memory_space<vmem>> -> memref<1x8x768xf32, #tpu.memory_space<vmem>>
    %dma_start3A_169 = tpu.memref_squeeze %dma_start3A_168 : memref<1x8x768xf32, #tpu.memory_space<vmem>> -> memref<8x768xf32, #tpu.memory_space<vmem>>
    %dma_start3A_170 = arith.constant 8 : i32
    %dma_start3A_171 = tpu.memref_slice %arg6[%dma_start3A_163, %dma_start3A_170] : memref<64x16xi32, #tpu.memory_space<vmem>> -> memref<1x8xi32, #tpu.memory_space<vmem>>
    %dma_start3A_172 = tpu.memref_squeeze %dma_start3A_171 : memref<1x8xi32, #tpu.memory_space<vmem>> -> memref<8xi32, #tpu.memory_space<vmem>>
    %dma_start3A_173 = arith.constant 0 : i32
    %dma_start3A_174 = arith.constant 0 : i32
    %dma_start3A_175 = tpu.memref_slice %arg3[%dma_start3A_173, %dma_start3A_174] : memref<100000x768xf32, #tpu.memory_space<hbm>> -> memref<100000x768xf32, #tpu.memory_space<hbm>>
    %dma_start3A_176 = tpu.memref_slice %arg9[%dma_start3A_165] : memref<8x!tpu.dma_semaphore, #tpu.memory_space<semaphore_mem>> -> memref<1x!tpu.dma_semaphore, #tpu.memory_space<semaphore_mem>>
    %dma_start3A_177 = tpu.memref_squeeze %dma_start3A_176 : memref<1x!tpu.dma_semaphore, #tpu.memory_space<semaphore_mem>> -> memref<!tpu.dma_semaphore, #tpu.memory_space<semaphore_mem>>
    tpu.enqueue_indirect_dma source(%dma_start3A_175 : memref<100000x768xf32, #tpu.memory_space<hbm>>) target(%dma_start3A_169 : memref<8x768xf32, #tpu.memory_space<vmem>>) offsets(%dma_start3A_172 : memref<8xi32, #tpu.memory_space<vmem>>) semaphore(%dma_start3A_177 : memref<!tpu.dma_semaphore, #tpu.memory_space<semaphore_mem>>)
    %add3A_178 = arith.constant 12 : i32
    %add3A_179 = arith.addi %mul3A_4, %add3A_178 : i32
    %dma_start3A_180 = arith.constant 3 : i32
    %dma_start3A_181 = arith.constant 3 : i32
    %dma_start3A_182 = arith.constant 0 : i32
    %dma_start3A_183 = arith.constant 0 : i32
    %dma_start3A_184 = tpu.memref_slice %arg8[%dma_start3A_180, %dma_start3A_182, %dma_start3A_183] : memref<8x4x768xf32, #tpu.memory_space<vmem>> -> memref<1x4x768xf32, #tpu.memory_space<vmem>>
    %dma_start3A_185 = tpu.memref_squeeze %dma_start3A_184 : memref<1x4x768xf32, #tpu.memory_space<vmem>> -> memref<4x768xf32, #tpu.memory_space<vmem>>
    %dma_start3A_186 = arith.constant 0 : i32
    %dma_start3A_187 = tpu.memref_slice %arg4[%add3A_179, %dma_start3A_186] : memref<8192x768xf32, #tpu.memory_space<hbm>> -> memref<4x768xf32, #tpu.memory_space<hbm>>
    %dma_start3A_188 = tpu.memref_slice %arg10[%dma_start3A_181] : memref<8x!tpu.dma_semaphore, #tpu.memory_space<semaphore_mem>> -> memref<1x!tpu.dma_semaphore, #tpu.memory_space<semaphore_mem>>
    %dma_start3A_189 = tpu.memref_squeeze %dma_start3A_188 : memref<1x!tpu.dma_semaphore, #tpu.memory_space<semaphore_mem>> -> memref<!tpu.dma_semaphore, #tpu.memory_space<semaphore_mem>>
    %dma_start3A_190 = arith.constant 0 : i32
    %dma_start3A_191 = arith.constant 0 : i32
    %dma_start3A_192 = tpu.memref_slice %arg8[%dma_start3A_180, %dma_start3A_190, %dma_start3A_191] : memref<8x4x768xf32, #tpu.memory_space<vmem>> -> memref<1x4x768xf32, #tpu.memory_space<vmem>>
    %dma_start3A_193 = tpu.memref_squeeze %dma_start3A_192 : memref<1x4x768xf32, #tpu.memory_space<vmem>> -> memref<4x768xf32, #tpu.memory_space<vmem>>
    %dma_start3A_194 = arith.constant 0 : i32
    %dma_start3A_195 = tpu.memref_slice %arg4[%add3A_179, %dma_start3A_194] : memref<8192x768xf32, #tpu.memory_space<hbm>> -> memref<4x768xf32, #tpu.memory_space<hbm>>
    tpu.enqueue_dma source(%dma_start3A_195 : memref<4x768xf32, #tpu.memory_space<hbm>>) target(%dma_start3A_193 : memref<4x768xf32, #tpu.memory_space<vmem>>) target_semaphore(%dma_start3A_189 : memref<!tpu.dma_semaphore, #tpu.memory_space<semaphore_mem>>)
    %dma_start3A_196 = arith.constant 4 : i32
    %dma_start3A_197 = arith.constant 4 : i32
    %dma_start3A_198 = arith.constant 4 : i32
    %dma_start3A_199 = arith.constant 0 : i32
    %dma_start3A_200 = arith.constant 0 : i32
    %dma_start3A_201 = tpu.memref_slice %arg7[%dma_start3A_197, %dma_start3A_199, %dma_start3A_200] : memref<8x16x768xf32, #tpu.memory_space<vmem>> -> memref<1x8x768xf32, #tpu.memory_space<vmem>>
    %dma_start3A_202 = tpu.memref_squeeze %dma_start3A_201 : memref<1x8x768xf32, #tpu.memory_space<vmem>> -> memref<8x768xf32, #tpu.memory_space<vmem>>
    %dma_start3A_203 = arith.constant 0 : i32
    %dma_start3A_204 = tpu.memref_slice %arg6[%dma_start3A_196, %dma_start3A_203] : memref<64x16xi32, #tpu.memory_space<vmem>> -> memref<1x8xi32, #tpu.memory_space<vmem>>
    %dma_start3A_205 = tpu.memref_squeeze %dma_start3A_204 : memref<1x8xi32, #tpu.memory_space<vmem>> -> memref<8xi32, #tpu.memory_space<vmem>>
    %dma_start3A_206 = arith.constant 0 : i32
    %dma_start3A_207 = arith.constant 0 : i32
    %dma_start3A_208 = tpu.memref_slice %arg3[%dma_start3A_206, %dma_start3A_207] : memref<100000x768xf32, #tpu.memory_space<hbm>> -> memref<100000x768xf32, #tpu.memory_space<hbm>>
    %dma_start3A_209 = tpu.memref_slice %arg9[%dma_start3A_198] : memref<8x!tpu.dma_semaphore, #tpu.memory_space<semaphore_mem>> -> memref<1x!tpu.dma_semaphore, #tpu.memory_space<semaphore_mem>>
    %dma_start3A_210 = tpu.memref_squeeze %dma_start3A_209 : memref<1x!tpu.dma_semaphore, #tpu.memory_space<semaphore_mem>> -> memref<!tpu.dma_semaphore, #tpu.memory_space<semaphore_mem>>
    tpu.enqueue_indirect_dma source(%dma_start3A_208 : memref<100000x768xf32, #tpu.memory_space<hbm>>) target(%dma_start3A_202 : memref<8x768xf32, #tpu.memory_space<vmem>>) offsets(%dma_start3A_205 : memref<8xi32, #tpu.memory_space<vmem>>) semaphore(%dma_start3A_210 : memref<!tpu.dma_semaphore, #tpu.memory_space<semaphore_mem>>)
    %dma_start3A_211 = arith.constant 4 : i32
    %dma_start3A_212 = arith.constant 4 : i32
    %dma_start3A_213 = arith.constant 4 : i32
    %dma_start3A_214 = arith.constant 8 : i32
    %dma_start3A_215 = arith.constant 0 : i32
    %dma_start3A_216 = tpu.memref_slice %arg7[%dma_start3A_212, %dma_start3A_214, %dma_start3A_215] : memref<8x16x768xf32, #tpu.memory_space<vmem>> -> memref<1x8x768xf32, #tpu.memory_space<vmem>>
    %dma_start3A_217 = tpu.memref_squeeze %dma_start3A_216 : memref<1x8x768xf32, #tpu.memory_space<vmem>> -> memref<8x768xf32, #tpu.memory_space<vmem>>
    %dma_start3A_218 = arith.constant 8 : i32
    %dma_start3A_219 = tpu.memref_slice %arg6[%dma_start3A_211, %dma_start3A_218] : memref<64x16xi32, #tpu.memory_space<vmem>> -> memref<1x8xi32, #tpu.memory_space<vmem>>
    %dma_start3A_220 = tpu.memref_squeeze %dma_start3A_219 : memref<1x8xi32, #tpu.memory_space<vmem>> -> memref<8xi32, #tpu.memory_space<vmem>>
    %dma_start3A_221 = arith.constant 0 : i32
    %dma_start3A_222 = arith.constant 0 : i32
    %dma_start3A_223 = tpu.memref_slice %arg3[%dma_start3A_221, %dma_start3A_222] : memref<100000x768xf32, #tpu.memory_space<hbm>> -> memref<100000x768xf32, #tpu.memory_space<hbm>>
    %dma_start3A_224 = tpu.memref_slice %arg9[%dma_start3A_213] : memref<8x!tpu.dma_semaphore, #tpu.memory_space<semaphore_mem>> -> memref<1x!tpu.dma_semaphore, #tpu.memory_space<semaphore_mem>>
    %dma_start3A_225 = tpu.memref_squeeze %dma_start3A_224 : memref<1x!tpu.dma_semaphore, #tpu.memory_space<semaphore_mem>> -> memref<!tpu.dma_semaphore, #tpu.memory_space<semaphore_mem>>
    tpu.enqueue_indirect_dma source(%dma_start3A_223 : memref<100000x768xf32, #tpu.memory_space<hbm>>) target(%dma_start3A_217 : memref<8x768xf32, #tpu.memory_space<vmem>>) offsets(%dma_start3A_220 : memref<8xi32, #tpu.memory_space<vmem>>) semaphore(%dma_start3A_225 : memref<!tpu.dma_semaphore, #tpu.memory_space<semaphore_mem>>)
    %add3A_226 = arith.constant 16 : i32
    %add3A_227 = arith.addi %mul3A_4, %add3A_226 : i32
    %dma_start3A_228 = arith.constant 4 : i32
    %dma_start3A_229 = arith.constant 4 : i32
    %dma_start3A_230 = arith.constant 0 : i32
    %dma_start3A_231 = arith.constant 0 : i32
    %dma_start3A_232 = tpu.memref_slice %arg8[%dma_start3A_228, %dma_start3A_230, %dma_start3A_231] : memref<8x4x768xf32, #tpu.memory_space<vmem>> -> memref<1x4x768xf32, #tpu.memory_space<vmem>>
    %dma_start3A_233 = tpu.memref_squeeze %dma_start3A_232 : memref<1x4x768xf32, #tpu.memory_space<vmem>> -> memref<4x768xf32, #tpu.memory_space<vmem>>
    %dma_start3A_234 = arith.constant 0 : i32
    %dma_start3A_235 = tpu.memref_slice %arg4[%add3A_227, %dma_start3A_234] : memref<8192x768xf32, #tpu.memory_space<hbm>> -> memref<4x768xf32, #tpu.memory_space<hbm>>
    %dma_start3A_236 = tpu.memref_slice %arg10[%dma_start3A_229] : memref<8x!tpu.dma_semaphore, #tpu.memory_space<semaphore_mem>> -> memref<1x!tpu.dma_semaphore, #tpu.memory_space<semaphore_mem>>
    %dma_start3A_237 = tpu.memref_squeeze %dma_start3A_236 : memref<1x!tpu.dma_semaphore, #tpu.memory_space<semaphore_mem>> -> memref<!tpu.dma_semaphore, #tpu.memory_space<semaphore_mem>>
    %dma_start3A_238 = arith.constant 0 : i32
    %dma_start3A_239 = arith.constant 0 : i32
    %dma_start3A_240 = tpu.memref_slice %arg8[%dma_start3A_228, %dma_start3A_238, %dma_start3A_239] : memref<8x4x768xf32, #tpu.memory_space<vmem>> -> memref<1x4x768xf32, #tpu.memory_space<vmem>>
    %dma_start3A_241 = tpu.memref_squeeze %dma_start3A_240 : memref<1x4x768xf32, #tpu.memory_space<vmem>> -> memref<4x768xf32, #tpu.memory_space<vmem>>
    %dma_start3A_242 = arith.constant 0 : i32
    %dma_start3A_243 = tpu.memref_slice %arg4[%add3A_227, %dma_start3A_242] : memref<8192x768xf32, #tpu.memory_space<hbm>> -> memref<4x768xf32, #tpu.memory_space<hbm>>
    tpu.enqueue_dma source(%dma_start3A_243 : memref<4x768xf32, #tpu.memory_space<hbm>>) target(%dma_start3A_241 : memref<4x768xf32, #tpu.memory_space<vmem>>) target_semaphore(%dma_start3A_237 : memref<!tpu.dma_semaphore, #tpu.memory_space<semaphore_mem>>)
    %dma_start3A_244 = arith.constant 5 : i32
    %dma_start3A_245 = arith.constant 5 : i32
    %dma_start3A_246 = arith.constant 5 : i32
    %dma_start3A_247 = arith.constant 0 : i32
    %dma_start3A_248 = arith.constant 0 : i32
    %dma_start3A_249 = tpu.memref_slice %arg7[%dma_start3A_245, %dma_start3A_247, %dma_start3A_248] : memref<8x16x768xf32, #tpu.memory_space<vmem>> -> memref<1x8x768xf32, #tpu.memory_space<vmem>>
    %dma_start3A_250 = tpu.memref_squeeze %dma_start3A_249 : memref<1x8x768xf32, #tpu.memory_space<vmem>> -> memref<8x768xf32, #tpu.memory_space<vmem>>
    %dma_start3A_251 = arith.constant 0 : i32
    %dma_start3A_252 = tpu.memref_slice %arg6[%dma_start3A_244, %dma_start3A_251] : memref<64x16xi32, #tpu.memory_space<vmem>> -> memref<1x8xi32, #tpu.memory_space<vmem>>
    %dma_start3A_253 = tpu.memref_squeeze %dma_start3A_252 : memref<1x8xi32, #tpu.memory_space<vmem>> -> memref<8xi32, #tpu.memory_space<vmem>>
    %dma_start3A_254 = arith.constant 0 : i32
    %dma_start3A_255 = arith.constant 0 : i32
    %dma_start3A_256 = tpu.memref_slice %arg3[%dma_start3A_254, %dma_start3A_255] : memref<100000x768xf32, #tpu.memory_space<hbm>> -> memref<100000x768xf32, #tpu.memory_space<hbm>>
    %dma_start3A_257 = tpu.memref_slice %arg9[%dma_start3A_246] : memref<8x!tpu.dma_semaphore, #tpu.memory_space<semaphore_mem>> -> memref<1x!tpu.dma_semaphore, #tpu.memory_space<semaphore_mem>>
    %dma_start3A_258 = tpu.memref_squeeze %dma_start3A_257 : memref<1x!tpu.dma_semaphore, #tpu.memory_space<semaphore_mem>> -> memref<!tpu.dma_semaphore, #tpu.memory_space<semaphore_mem>>
    tpu.enqueue_indirect_dma source(%dma_start3A_256 : memref<100000x768xf32, #tpu.memory_space<hbm>>) target(%dma_start3A_250 : memref<8x768xf32, #tpu.memory_space<vmem>>) offsets(%dma_start3A_253 : memref<8xi32, #tpu.memory_space<vmem>>) semaphore(%dma_start3A_258 : memref<!tpu.dma_semaphore, #tpu.memory_space<semaphore_mem>>)
    %dma_start3A_259 = arith.constant 5 : i32
    %dma_start3A_260 = arith.constant 5 : i32
    %dma_start3A_261 = arith.constant 5 : i32
    %dma_start3A_262 = arith.constant 8 : i32
    %dma_start3A_263 = arith.constant 0 : i32
    %dma_start3A_264 = tpu.memref_slice %arg7[%dma_start3A_260, %dma_start3A_262, %dma_start3A_263] : memref<8x16x768xf32, #tpu.memory_space<vmem>> -> memref<1x8x768xf32, #tpu.memory_space<vmem>>
    %dma_start3A_265 = tpu.memref_squeeze %dma_start3A_264 : memref<1x8x768xf32, #tpu.memory_space<vmem>> -> memref<8x768xf32, #tpu.memory_space<vmem>>
    %dma_start3A_266 = arith.constant 8 : i32
    %dma_start3A_267 = tpu.memref_slice %arg6[%dma_start3A_259, %dma_start3A_266] : memref<64x16xi32, #tpu.memory_space<vmem>> -> memref<1x8xi32, #tpu.memory_space<vmem>>
    %dma_start3A_268 = tpu.memref_squeeze %dma_start3A_267 : memref<1x8xi32, #tpu.memory_space<vmem>> -> memref<8xi32, #tpu.memory_space<vmem>>
    %dma_start3A_269 = arith.constant 0 : i32
    %dma_start3A_270 = arith.constant 0 : i32
    %dma_start3A_271 = tpu.memref_slice %arg3[%dma_start3A_269, %dma_start3A_270] : memref<100000x768xf32, #tpu.memory_space<hbm>> -> memref<100000x768xf32, #tpu.memory_space<hbm>>
    %dma_start3A_272 = tpu.memref_slice %arg9[%dma_start3A_261] : memref<8x!tpu.dma_semaphore, #tpu.memory_space<semaphore_mem>> -> memref<1x!tpu.dma_semaphore, #tpu.memory_space<semaphore_mem>>
    %dma_start3A_273 = tpu.memref_squeeze %dma_start3A_272 : memref<1x!tpu.dma_semaphore, #tpu.memory_space<semaphore_mem>> -> memref<!tpu.dma_semaphore, #tpu.memory_space<semaphore_mem>>
    tpu.enqueue_indirect_dma source(%dma_start3A_271 : memref<100000x768xf32, #tpu.memory_space<hbm>>) target(%dma_start3A_265 : memref<8x768xf32, #tpu.memory_space<vmem>>) offsets(%dma_start3A_268 : memref<8xi32, #tpu.memory_space<vmem>>) semaphore(%dma_start3A_273 : memref<!tpu.dma_semaphore, #tpu.memory_space<semaphore_mem>>)
    %add3A_274 = arith.constant 20 : i32
    %add3A_275 = arith.addi %mul3A_4, %add3A_274 : i32
    %dma_start3A_276 = arith.constant 5 : i32
    %dma_start3A_277 = arith.constant 5 : i32
    %dma_start3A_278 = arith.constant 0 : i32
    %dma_start3A_279 = arith.constant 0 : i32
    %dma_start3A_280 = tpu.memref_slice %arg8[%dma_start3A_276, %dma_start3A_278, %dma_start3A_279] : memref<8x4x768xf32, #tpu.memory_space<vmem>> -> memref<1x4x768xf32, #tpu.memory_space<vmem>>
    %dma_start3A_281 = tpu.memref_squeeze %dma_start3A_280 : memref<1x4x768xf32, #tpu.memory_space<vmem>> -> memref<4x768xf32, #tpu.memory_space<vmem>>
    %dma_start3A_282 = arith.constant 0 : i32
    %dma_start3A_283 = tpu.memref_slice %arg4[%add3A_275, %dma_start3A_282] : memref<8192x768xf32, #tpu.memory_space<hbm>> -> memref<4x768xf32, #tpu.memory_space<hbm>>
    %dma_start3A_284 = tpu.memref_slice %arg10[%dma_start3A_277] : memref<8x!tpu.dma_semaphore, #tpu.memory_space<semaphore_mem>> -> memref<1x!tpu.dma_semaphore, #tpu.memory_space<semaphore_mem>>
    %dma_start3A_285 = tpu.memref_squeeze %dma_start3A_284 : memref<1x!tpu.dma_semaphore, #tpu.memory_space<semaphore_mem>> -> memref<!tpu.dma_semaphore, #tpu.memory_space<semaphore_mem>>
    %dma_start3A_286 = arith.constant 0 : i32
    %dma_start3A_287 = arith.constant 0 : i32
    %dma_start3A_288 = tpu.memref_slice %arg8[%dma_start3A_276, %dma_start3A_286, %dma_start3A_287] : memref<8x4x768xf32, #tpu.memory_space<vmem>> -> memref<1x4x768xf32, #tpu.memory_space<vmem>>
    %dma_start3A_289 = tpu.memref_squeeze %dma_start3A_288 : memref<1x4x768xf32, #tpu.memory_space<vmem>> -> memref<4x768xf32, #tpu.memory_space<vmem>>
    %dma_start3A_290 = arith.constant 0 : i32
    %dma_start3A_291 = tpu.memref_slice %arg4[%add3A_275, %dma_start3A_290] : memref<8192x768xf32, #tpu.memory_space<hbm>> -> memref<4x768xf32, #tpu.memory_space<hbm>>
    tpu.enqueue_dma source(%dma_start3A_291 : memref<4x768xf32, #tpu.memory_space<hbm>>) target(%dma_start3A_289 : memref<4x768xf32, #tpu.memory_space<vmem>>) target_semaphore(%dma_start3A_285 : memref<!tpu.dma_semaphore, #tpu.memory_space<semaphore_mem>>)
    %dma_start3A_292 = arith.constant 6 : i32
    %dma_start3A_293 = arith.constant 6 : i32
    %dma_start3A_294 = arith.constant 6 : i32
    %dma_start3A_295 = arith.constant 0 : i32
    %dma_start3A_296 = arith.constant 0 : i32
    %dma_start3A_297 = tpu.memref_slice %arg7[%dma_start3A_293, %dma_start3A_295, %dma_start3A_296] : memref<8x16x768xf32, #tpu.memory_space<vmem>> -> memref<1x8x768xf32, #tpu.memory_space<vmem>>
    %dma_start3A_298 = tpu.memref_squeeze %dma_start3A_297 : memref<1x8x768xf32, #tpu.memory_space<vmem>> -> memref<8x768xf32, #tpu.memory_space<vmem>>
    %dma_start3A_299 = arith.constant 0 : i32
    %dma_start3A_300 = tpu.memref_slice %arg6[%dma_start3A_292, %dma_start3A_299] : memref<64x16xi32, #tpu.memory_space<vmem>> -> memref<1x8xi32, #tpu.memory_space<vmem>>
    %dma_start3A_301 = tpu.memref_squeeze %dma_start3A_300 : memref<1x8xi32, #tpu.memory_space<vmem>> -> memref<8xi32, #tpu.memory_space<vmem>>
    %dma_start3A_302 = arith.constant 0 : i32
    %dma_start3A_303 = arith.constant 0 : i32
    %dma_start3A_304 = tpu.memref_slice %arg3[%dma_start3A_302, %dma_start3A_303] : memref<100000x768xf32, #tpu.memory_space<hbm>> -> memref<100000x768xf32, #tpu.memory_space<hbm>>
    %dma_start3A_305 = tpu.memref_slice %arg9[%dma_start3A_294] : memref<8x!tpu.dma_semaphore, #tpu.memory_space<semaphore_mem>> -> memref<1x!tpu.dma_semaphore, #tpu.memory_space<semaphore_mem>>
    %dma_start3A_306 = tpu.memref_squeeze %dma_start3A_305 : memref<1x!tpu.dma_semaphore, #tpu.memory_space<semaphore_mem>> -> memref<!tpu.dma_semaphore, #tpu.memory_space<semaphore_mem>>
    tpu.enqueue_indirect_dma source(%dma_start3A_304 : memref<100000x768xf32, #tpu.memory_space<hbm>>) target(%dma_start3A_298 : memref<8x768xf32, #tpu.memory_space<vmem>>) offsets(%dma_start3A_301 : memref<8xi32, #tpu.memory_space<vmem>>) semaphore(%dma_start3A_306 : memref<!tpu.dma_semaphore, #tpu.memory_space<semaphore_mem>>)
    %dma_start3A_307 = arith.constant 6 : i32
    %dma_start3A_308 = arith.constant 6 : i32
    %dma_start3A_309 = arith.constant 6 : i32
    %dma_start3A_310 = arith.constant 8 : i32
    %dma_start3A_311 = arith.constant 0 : i32
    %dma_start3A_312 = tpu.memref_slice %arg7[%dma_start3A_308, %dma_start3A_310, %dma_start3A_311] : memref<8x16x768xf32, #tpu.memory_space<vmem>> -> memref<1x8x768xf32, #tpu.memory_space<vmem>>
    %dma_start3A_313 = tpu.memref_squeeze %dma_start3A_312 : memref<1x8x768xf32, #tpu.memory_space<vmem>> -> memref<8x768xf32, #tpu.memory_space<vmem>>
    %dma_start3A_314 = arith.constant 8 : i32
    %dma_start3A_315 = tpu.memref_slice %arg6[%dma_start3A_307, %dma_start3A_314] : memref<64x16xi32, #tpu.memory_space<vmem>> -> memref<1x8xi32, #tpu.memory_space<vmem>>
    %dma_start3A_316 = tpu.memref_squeeze %dma_start3A_315 : memref<1x8xi32, #tpu.memory_space<vmem>> -> memref<8xi32, #tpu.memory_space<vmem>>
    %dma_start3A_317 = arith.constant 0 : i32
    %dma_start3A_318 = arith.constant 0 : i32
    %dma_start3A_319 = tpu.memref_slice %arg3[%dma_start3A_317, %dma_start3A_318] : memref<100000x768xf32, #tpu.memory_space<hbm>> -> memref<100000x768xf32, #tpu.memory_space<hbm>>
    %dma_start3A_320 = tpu.memref_slice %arg9[%dma_start3A_309] : memref<8x!tpu.dma_semaphore, #tpu.memory_space<semaphore_mem>> -> memref<1x!tpu.dma_semaphore, #tpu.memory_space<semaphore_mem>>
    %dma_start3A_321 = tpu.memref_squeeze %dma_start3A_320 : memref<1x!tpu.dma_semaphore, #tpu.memory_space<semaphore_mem>> -> memref<!tpu.dma_semaphore, #tpu.memory_space<semaphore_mem>>
    tpu.enqueue_indirect_dma source(%dma_start3A_319 : memref<100000x768xf32, #tpu.memory_space<hbm>>) target(%dma_start3A_313 : memref<8x768xf32, #tpu.memory_space<vmem>>) offsets(%dma_start3A_316 : memref<8xi32, #tpu.memory_space<vmem>>) semaphore(%dma_start3A_321 : memref<!tpu.dma_semaphore, #tpu.memory_space<semaphore_mem>>)
    %add3A_322 = arith.constant 24 : i32
    %add3A_323 = arith.addi %mul3A_4, %add3A_322 : i32
    %dma_start3A_324 = arith.constant 6 : i32
    %dma_start3A_325 = arith.constant 6 : i32
    %dma_start3A_326 = arith.constant 0 : i32
    %dma_start3A_327 = arith.constant 0 : i32
    %dma_start3A_328 = tpu.memref_slice %arg8[%dma_start3A_324, %dma_start3A_326, %dma_start3A_327] : memref<8x4x768xf32, #tpu.memory_space<vmem>> -> memref<1x4x768xf32, #tpu.memory_space<vmem>>
    %dma_start3A_329 = tpu.memref_squeeze %dma_start3A_328 : memref<1x4x768xf32, #tpu.memory_space<vmem>> -> memref<4x768xf32, #tpu.memory_space<vmem>>
    %dma_start3A_330 = arith.constant 0 : i32
    %dma_start3A_331 = tpu.memref_slice %arg4[%add3A_323, %dma_start3A_330] : memref<8192x768xf32, #tpu.memory_space<hbm>> -> memref<4x768xf32, #tpu.memory_space<hbm>>
    %dma_start3A_332 = tpu.memref_slice %arg10[%dma_start3A_325] : memref<8x!tpu.dma_semaphore, #tpu.memory_space<semaphore_mem>> -> memref<1x!tpu.dma_semaphore, #tpu.memory_space<semaphore_mem>>
    %dma_start3A_333 = tpu.memref_squeeze %dma_start3A_332 : memref<1x!tpu.dma_semaphore, #tpu.memory_space<semaphore_mem>> -> memref<!tpu.dma_semaphore, #tpu.memory_space<semaphore_mem>>
    %dma_start3A_334 = arith.constant 0 : i32
    %dma_start3A_335 = arith.constant 0 : i32
    %dma_start3A_336 = tpu.memref_slice %arg8[%dma_start3A_324, %dma_start3A_334, %dma_start3A_335] : memref<8x4x768xf32, #tpu.memory_space<vmem>> -> memref<1x4x768xf32, #tpu.memory_space<vmem>>
    %dma_start3A_337 = tpu.memref_squeeze %dma_start3A_336 : memref<1x4x768xf32, #tpu.memory_space<vmem>> -> memref<4x768xf32, #tpu.memory_space<vmem>>
    %dma_start3A_338 = arith.constant 0 : i32
    %dma_start3A_339 = tpu.memref_slice %arg4[%add3A_323, %dma_start3A_338] : memref<8192x768xf32, #tpu.memory_space<hbm>> -> memref<4x768xf32, #tpu.memory_space<hbm>>
    tpu.enqueue_dma source(%dma_start3A_339 : memref<4x768xf32, #tpu.memory_space<hbm>>) target(%dma_start3A_337 : memref<4x768xf32, #tpu.memory_space<vmem>>) target_semaphore(%dma_start3A_333 : memref<!tpu.dma_semaphore, #tpu.memory_space<semaphore_mem>>)
    %scan3A = arith.constant 0 : i32
    %scan3A_340 = arith.constant 0 : i32
    %scan3A_341 = arith.constant 64 : i32
    %scan3A_342 = arith.addi %scan3A_340, %scan3A_341 : i32
    %scan3A_343 = arith.constant 1 : i32
    scf.for %scan3A_664 = %scan3A_340 to %scan3A_342 step %scan3A_343  : i32 {
      %rem3A = arith.constant 8 : i32
      %rem3A_665 = arith.remsi %scan3A_664, %rem3A : i32
      %dma_wait3A_666 = arith.constant 0 : i32
      %dma_wait3A_667 = arith.constant 0 : i32
      %dma_wait3A_668 = arith.constant 0 : i32
      %dma_wait3A_669 = tpu.memref_slice %arg7[%rem3A_665, %dma_wait3A_667, %dma_wait3A_668] : memref<8x16x768xf32, #tpu.memory_space<vmem>> -> memref<1x8x768xf32, #tpu.memory_space<vmem>>
      %dma_wait3A_670 = tpu.memref_squeeze %dma_wait3A_669 : memref<1x8x768xf32, #tpu.memory_space<vmem>> -> memref<8x768xf32, #tpu.memory_space<vmem>>
      %dma_wait3A_671 = arith.constant 0 : i32
      %dma_wait3A_672 = tpu.memref_slice %arg6[%dma_wait3A_666, %dma_wait3A_671] : memref<64x16xi32, #tpu.memory_space<vmem>> -> memref<1x8xi32, #tpu.memory_space<vmem>>
      %dma_wait3A_673 = tpu.memref_squeeze %dma_wait3A_672 : memref<1x8xi32, #tpu.memory_space<vmem>> -> memref<8xi32, #tpu.memory_space<vmem>>
      %dma_wait3A_674 = arith.constant 0 : i32
      %dma_wait3A_675 = arith.constant 0 : i32
      %dma_wait3A_676 = tpu.memref_slice %arg3[%dma_wait3A_674, %dma_wait3A_675] : memref<100000x768xf32, #tpu.memory_space<hbm>> -> memref<100000x768xf32, #tpu.memory_space<hbm>>
      %dma_wait3A_677 = tpu.memref_slice %arg9[%rem3A_665] : memref<8x!tpu.dma_semaphore, #tpu.memory_space<semaphore_mem>> -> memref<1x!tpu.dma_semaphore, #tpu.memory_space<semaphore_mem>>
      %dma_wait3A_678 = tpu.memref_squeeze %dma_wait3A_677 : memref<1x!tpu.dma_semaphore, #tpu.memory_space<semaphore_mem>> -> memref<!tpu.dma_semaphore, #tpu.memory_space<semaphore_mem>>
      tpu.wait_indirect_dma semaphore(%dma_wait3A_678 : memref<!tpu.dma_semaphore, #tpu.memory_space<semaphore_mem>>) src(%dma_wait3A_676 : memref<100000x768xf32, #tpu.memory_space<hbm>>) dst(%dma_wait3A_670 : memref<8x768xf32, #tpu.memory_space<vmem>>)
      %dma_wait3A_679 = arith.constant 0 : i32
      %dma_wait3A_680 = arith.constant 8 : i32
      %dma_wait3A_681 = arith.constant 0 : i32
      %dma_wait3A_682 = tpu.memref_slice %arg7[%rem3A_665, %dma_wait3A_680, %dma_wait3A_681] : memref<8x16x768xf32, #tpu.memory_space<vmem>> -> memref<1x8x768xf32, #tpu.memory_space<vmem>>
      %dma_wait3A_683 = tpu.memref_squeeze %dma_wait3A_682 : memref<1x8x768xf32, #tpu.memory_space<vmem>> -> memref<8x768xf32, #tpu.memory_space<vmem>>
      %dma_wait3A_684 = arith.constant 0 : i32
      %dma_wait3A_685 = tpu.memref_slice %arg6[%dma_wait3A_679, %dma_wait3A_684] : memref<64x16xi32, #tpu.memory_space<vmem>> -> memref<1x8xi32, #tpu.memory_space<vmem>>
      %dma_wait3A_686 = tpu.memref_squeeze %dma_wait3A_685 : memref<1x8xi32, #tpu.memory_space<vmem>> -> memref<8xi32, #tpu.memory_space<vmem>>
      %dma_wait3A_687 = arith.constant 0 : i32
      %dma_wait3A_688 = arith.constant 0 : i32
      %dma_wait3A_689 = tpu.memref_slice %arg3[%dma_wait3A_687, %dma_wait3A_688] : memref<100000x768xf32, #tpu.memory_space<hbm>> -> memref<100000x768xf32, #tpu.memory_space<hbm>>
      %dma_wait3A_690 = tpu.memref_slice %arg9[%rem3A_665] : memref<8x!tpu.dma_semaphore, #tpu.memory_space<semaphore_mem>> -> memref<1x!tpu.dma_semaphore, #tpu.memory_space<semaphore_mem>>
      %dma_wait3A_691 = tpu.memref_squeeze %dma_wait3A_690 : memref<1x!tpu.dma_semaphore, #tpu.memory_space<semaphore_mem>> -> memref<!tpu.dma_semaphore, #tpu.memory_space<semaphore_mem>>
      tpu.wait_indirect_dma semaphore(%dma_wait3A_691 : memref<!tpu.dma_semaphore, #tpu.memory_space<semaphore_mem>>) src(%dma_wait3A_689 : memref<100000x768xf32, #tpu.memory_space<hbm>>) dst(%dma_wait3A_683 : memref<8x768xf32, #tpu.memory_space<vmem>>)
      %dma_wait3A_692 = arith.constant 0 : i32
      %dma_wait3A_693 = arith.constant 0 : i32
      %dma_wait3A_694 = tpu.memref_slice %arg8[%rem3A_665, %dma_wait3A_692, %dma_wait3A_693] : memref<8x4x768xf32, #tpu.memory_space<vmem>> -> memref<1x4x768xf32, #tpu.memory_space<vmem>>
      %dma_wait3A_695 = tpu.memref_squeeze %dma_wait3A_694 : memref<1x4x768xf32, #tpu.memory_space<vmem>> -> memref<4x768xf32, #tpu.memory_space<vmem>>
      %dma_wait3A_696 = arith.constant 0 : i32
      %dma_wait3A_697 = arith.constant 0 : i32
      %dma_wait3A_698 = tpu.memref_slice %arg4[%dma_wait3A_696, %dma_wait3A_697] : memref<8192x768xf32, #tpu.memory_space<hbm>> -> memref<4x768xf32, #tpu.memory_space<hbm>>
      %dma_wait3A_699 = tpu.memref_slice %arg10[%rem3A_665] : memref<8x!tpu.dma_semaphore, #tpu.memory_space<semaphore_mem>> -> memref<1x!tpu.dma_semaphore, #tpu.memory_space<semaphore_mem>>
      %dma_wait3A_700 = tpu.memref_squeeze %dma_wait3A_699 : memref<1x!tpu.dma_semaphore, #tpu.memory_space<semaphore_mem>> -> memref<!tpu.dma_semaphore, #tpu.memory_space<semaphore_mem>>
      %dma_wait3A_701 = arith.constant 0 : i32
      %dma_wait3A_702 = arith.constant 0 : i32
      %dma_wait3A_703 = tpu.memref_slice %arg8[%rem3A_665, %dma_wait3A_701, %dma_wait3A_702] : memref<8x4x768xf32, #tpu.memory_space<vmem>> -> memref<1x4x768xf32, #tpu.memory_space<vmem>>
      %dma_wait3A_704 = tpu.memref_squeeze %dma_wait3A_703 : memref<1x4x768xf32, #tpu.memory_space<vmem>> -> memref<4x768xf32, #tpu.memory_space<vmem>>
      %dma_wait3A_705 = arith.constant 0 : i32
      %dma_wait3A_706 = arith.constant 0 : i32
      %dma_wait3A_707 = tpu.memref_slice %arg4[%dma_wait3A_705, %dma_wait3A_706] : memref<8192x768xf32, #tpu.memory_space<hbm>> -> memref<4x768xf32, #tpu.memory_space<hbm>>
      tpu.wait_dma2 semaphore(%dma_wait3A_700 : memref<!tpu.dma_semaphore, #tpu.memory_space<semaphore_mem>>) src(%dma_wait3A_707 : memref<4x768xf32, #tpu.memory_space<hbm>>) dst(%dma_wait3A_704 : memref<4x768xf32, #tpu.memory_space<vmem>>)
      %scan3A_708 = arith.constant 0 : i32
      %scan3A_709 = arith.constant 0 : i32
      %scan3A_710 = arith.constant 48 : i32
      %scan3A_711 = arith.addi %scan3A_709, %scan3A_710 : i32
      %scan3A_712 = arith.constant 1 : i32
      scf.for %scan3A_759 = %scan3A_709 to %scan3A_711 step %scan3A_712  : i32 {
        %mul3A_760 = arith.constant 16 : i32
        %mul3A_761 = arith.muli %scan3A_759, %mul3A_760 : i32
        %get3A = arith.constant 0 : i32
        %get3A_762 = arith.index_cast %rem3A_665 : i32 to index
        %get3A_763 = arith.index_cast %get3A : i32 to index
        %get3A_764 = arith.index_cast %mul3A_761 : i32 to index
        %get3A_765 = tpu.vector_load %arg8[%get3A_762, %get3A_763, %get3A_764] {strides = array<i32>} : memref<8x4x768xf32, #tpu.memory_space<vmem>>, vector<1x1x16xf32>,
        %get3A_766 = vector.shape_cast %get3A_765 : vector<1x1x16xf32> to vector<16xf32>
        %get3A_767 = arith.constant 1 : i32
        %get3A_768 = arith.index_cast %rem3A_665 : i32 to index
        %get3A_769 = arith.index_cast %get3A_767 : i32 to index
        %get3A_770 = arith.index_cast %mul3A_761 : i32 to index
        %get3A_771 = tpu.vector_load %arg8[%get3A_768, %get3A_769, %get3A_770] {strides = array<i32>} : memref<8x4x768xf32, #tpu.memory_space<vmem>>, vector<1x1x16xf32>,
        %get3A_772 = vector.shape_cast %get3A_771 : vector<1x1x16xf32> to vector<16xf32>
        %get3A_773 = arith.constant 2 : i32
        %get3A_774 = arith.index_cast %rem3A_665 : i32 to index
        %get3A_775 = arith.index_cast %get3A_773 : i32 to index
        %get3A_776 = arith.index_cast %mul3A_761 : i32 to index
        %get3A_777 = tpu.vector_load %arg8[%get3A_774, %get3A_775, %get3A_776] {strides = array<i32>} : memref<8x4x768xf32, #tpu.memory_space<vmem>>, vector<1x1x16xf32>,
        %get3A_778 = vector.shape_cast %get3A_777 : vector<1x1x16xf32> to vector<16xf32>
        %get3A_779 = arith.constant 3 : i32
        %get3A_780 = arith.index_cast %rem3A_665 : i32 to index
        %get3A_781 = arith.index_cast %get3A_779 : i32 to index
        %get3A_782 = arith.index_cast %mul3A_761 : i32 to index
        %get3A_783 = tpu.vector_load %arg8[%get3A_780, %get3A_781, %get3A_782] {strides = array<i32>} : memref<8x4x768xf32, #tpu.memory_space<vmem>>, vector<1x1x16xf32>,
        %get3A_784 = vector.shape_cast %get3A_783 : vector<1x1x16xf32> to vector<16xf32>
        %swap3A = arith.constant 0 : i32
        %swap3A_785 = arith.index_cast %rem3A_665 : i32 to index
        %swap3A_786 = arith.index_cast %swap3A : i32 to index
        %swap3A_787 = arith.index_cast %mul3A_761 : i32 to index
        %swap3A_788 = tpu.vector_load %arg7[%swap3A_785, %swap3A_786, %swap3A_787] {strides = array<i32>} : memref<8x16x768xf32, #tpu.memory_space<vmem>>, vector<1x1x16xf32>,
        %swap3A_789 = vector.shape_cast %swap3A_788 : vector<1x1x16xf32> to vector<16xf32>
        %swap3A_790 = vector.shape_cast %get3A_766 : vector<16xf32> to vector<1x1x16xf32>
        tpu.vector_store %arg7[%swap3A_785, %swap3A_786, %swap3A_787], %swap3A_790 {add = true, strides = array<i32>} : memref<8x16x768xf32, #tpu.memory_space<vmem>>, vector<1x1x16xf32>,
        %swap3A_791 = arith.constant 1 : i32
        %swap3A_792 = arith.index_cast %rem3A_665 : i32 to index
        %swap3A_793 = arith.index_cast %swap3A_791 : i32 to index
        %swap3A_794 = arith.index_cast %mul3A_761 : i32 to index
        %swap3A_795 = tpu.vector_load %arg7[%swap3A_792, %swap3A_793, %swap3A_794] {strides = array<i32>} : memref<8x16x768xf32, #tpu.memory_space<vmem>>, vector<1x1x16xf32>,
        %swap3A_796 = vector.shape_cast %swap3A_795 : vector<1x1x16xf32> to vector<16xf32>
        %swap3A_797 = vector.shape_cast %get3A_766 : vector<16xf32> to vector<1x1x16xf32>
        tpu.vector_store %arg7[%swap3A_792, %swap3A_793, %swap3A_794], %swap3A_797 {add = true, strides = array<i32>} : memref<8x16x768xf32, #tpu.memory_space<vmem>>, vector<1x1x16xf32>,
        %swap3A_798 = arith.constant 2 : i32
        %swap3A_799 = arith.index_cast %rem3A_665 : i32 to index
        %swap3A_800 = arith.index_cast %swap3A_798 : i32 to index
        %swap3A_801 = arith.index_cast %mul3A_761 : i32 to index
        %swap3A_802 = tpu.vector_load %arg7[%swap3A_799, %swap3A_800, %swap3A_801] {strides = array<i32>} : memref<8x16x768xf32, #tpu.memory_space<vmem>>, vector<1x1x16xf32>,
        %swap3A_803 = vector.shape_cast %swap3A_802 : vector<1x1x16xf32> to vector<16xf32>
        %swap3A_804 = vector.shape_cast %get3A_766 : vector<16xf32> to vector<1x1x16xf32>
        tpu.vector_store %arg7[%swap3A_799, %swap3A_800, %swap3A_801], %swap3A_804 {add = true, strides = array<i32>} : memref<8x16x768xf32, #tpu.memory_space<vmem>>, vector<1x1x16xf32>,
        %swap3A_805 = arith.constant 3 : i32
        %swap3A_806 = arith.index_cast %rem3A_665 : i32 to index
        %swap3A_807 = arith.index_cast %swap3A_805 : i32 to index
        %swap3A_808 = arith.index_cast %mul3A_761 : i32 to index
        %swap3A_809 = tpu.vector_load %arg7[%swap3A_806, %swap3A_807, %swap3A_808] {strides = array<i32>} : memref<8x16x768xf32, #tpu.memory_space<vmem>>, vector<1x1x16xf32>,
        %swap3A_810 = vector.shape_cast %swap3A_809 : vector<1x1x16xf32> to vector<16xf32>
        %swap3A_811 = vector.shape_cast %get3A_766 : vector<16xf32> to vector<1x1x16xf32>
        tpu.vector_store %arg7[%swap3A_806, %swap3A_807, %swap3A_808], %swap3A_811 {add = true, strides = array<i32>} : memref<8x16x768xf32, #tpu.memory_space<vmem>>, vector<1x1x16xf32>,
        %swap3A_812 = arith.constant 4 : i32
        %swap3A_813 = arith.index_cast %rem3A_665 : i32 to index
        %swap3A_814 = arith.index_cast %swap3A_812 : i32 to index
        %swap3A_815 = arith.index_cast %mul3A_761 : i32 to index
        %swap3A_816 = tpu.vector_load %arg7[%swap3A_813, %swap3A_814, %swap3A_815] {strides = array<i32>} : memref<8x16x768xf32, #tpu.memory_space<vmem>>, vector<1x1x16xf32>,
        %swap3A_817 = vector.shape_cast %swap3A_816 : vector<1x1x16xf32> to vector<16xf32>
        %swap3A_818 = vector.shape_cast %get3A_772 : vector<16xf32> to vector<1x1x16xf32>
        tpu.vector_store %arg7[%swap3A_813, %swap3A_814, %swap3A_815], %swap3A_818 {add = true, strides = array<i32>} : memref<8x16x768xf32, #tpu.memory_space<vmem>>, vector<1x1x16xf32>,
        %swap3A_819 = arith.constant 5 : i32
        %swap3A_820 = arith.index_cast %rem3A_665 : i32 to index
        %swap3A_821 = arith.index_cast %swap3A_819 : i32 to index
        %swap3A_822 = arith.index_cast %mul3A_761 : i32 to index
        %swap3A_823 = tpu.vector_load %arg7[%swap3A_820, %swap3A_821, %swap3A_822] {strides = array<i32>} : memref<8x16x768xf32, #tpu.memory_space<vmem>>, vector<1x1x16xf32>,
        %swap3A_824 = vector.shape_cast %swap3A_823 : vector<1x1x16xf32> to vector<16xf32>
        %swap3A_825 = vector.shape_cast %get3A_772 : vector<16xf32> to vector<1x1x16xf32>
        tpu.vector_store %arg7[%swap3A_820, %swap3A_821, %swap3A_822], %swap3A_825 {add = true, strides = array<i32>} : memref<8x16x768xf32, #tpu.memory_space<vmem>>, vector<1x1x16xf32>,
        %swap3A_826 = arith.constant 6 : i32
        %swap3A_827 = arith.index_cast %rem3A_665 : i32 to index
        %swap3A_828 = arith.index_cast %swap3A_826 : i32 to index
        %swap3A_829 = arith.index_cast %mul3A_761 : i32 to index
        %swap3A_830 = tpu.vector_load %arg7[%swap3A_827, %swap3A_828, %swap3A_829] {strides = array<i32>} : memref<8x16x768xf32, #tpu.memory_space<vmem>>, vector<1x1x16xf32>,
        %swap3A_831 = vector.shape_cast %swap3A_830 : vector<1x1x16xf32> to vector<16xf32>
        %swap3A_832 = vector.shape_cast %get3A_772 : vector<16xf32> to vector<1x1x16xf32>
        tpu.vector_store %arg7[%swap3A_827, %swap3A_828, %swap3A_829], %swap3A_832 {add = true, strides = array<i32>} : memref<8x16x768xf32, #tpu.memory_space<vmem>>, vector<1x1x16xf32>,
        %swap3A_833 = arith.constant 7 : i32
        %swap3A_834 = arith.index_cast %rem3A_665 : i32 to index
        %swap3A_835 = arith.index_cast %swap3A_833 : i32 to index
        %swap3A_836 = arith.index_cast %mul3A_761 : i32 to index
        %swap3A_837 = tpu.vector_load %arg7[%swap3A_834, %swap3A_835, %swap3A_836] {strides = array<i32>} : memref<8x16x768xf32, #tpu.memory_space<vmem>>, vector<1x1x16xf32>,
        %swap3A_838 = vector.shape_cast %swap3A_837 : vector<1x1x16xf32> to vector<16xf32>
        %swap3A_839 = vector.shape_cast %get3A_772 : vector<16xf32> to vector<1x1x16xf32>
        tpu.vector_store %arg7[%swap3A_834, %swap3A_835, %swap3A_836], %swap3A_839 {add = true, strides = array<i32>} : memref<8x16x768xf32, #tpu.memory_space<vmem>>, vector<1x1x16xf32>,
        %swap3A_840 = arith.constant 8 : i32
        %swap3A_841 = arith.index_cast %rem3A_665 : i32 to index
        %swap3A_842 = arith.index_cast %swap3A_840 : i32 to index
        %swap3A_843 = arith.index_cast %mul3A_761 : i32 to index
        %swap3A_844 = tpu.vector_load %arg7[%swap3A_841, %swap3A_842, %swap3A_843] {strides = array<i32>} : memref<8x16x768xf32, #tpu.memory_space<vmem>>, vector<1x1x16xf32>,
        %swap3A_845 = vector.shape_cast %swap3A_844 : vector<1x1x16xf32> to vector<16xf32>
        %swap3A_846 = vector.shape_cast %get3A_778 : vector<16xf32> to vector<1x1x16xf32>
        tpu.vector_store %arg7[%swap3A_841, %swap3A_842, %swap3A_843], %swap3A_846 {add = true, strides = array<i32>} : memref<8x16x768xf32, #tpu.memory_space<vmem>>, vector<1x1x16xf32>,
        %swap3A_847 = arith.constant 9 : i32
        %swap3A_848 = arith.index_cast %rem3A_665 : i32 to index
        %swap3A_849 = arith.index_cast %swap3A_847 : i32 to index
        %swap3A_850 = arith.index_cast %mul3A_761 : i32 to index
        %swap3A_851 = tpu.vector_load %arg7[%swap3A_848, %swap3A_849, %swap3A_850] {strides = array<i32>} : memref<8x16x768xf32, #tpu.memory_space<vmem>>, vector<1x1x16xf32>,
        %swap3A_852 = vector.shape_cast %swap3A_851 : vector<1x1x16xf32> to vector<16xf32>
        %swap3A_853 = vector.shape_cast %get3A_778 : vector<16xf32> to vector<1x1x16xf32>
        tpu.vector_store %arg7[%swap3A_848, %swap3A_849, %swap3A_850], %swap3A_853 {add = true, strides = array<i32>} : memref<8x16x768xf32, #tpu.memory_space<vmem>>, vector<1x1x16xf32>,
        %swap3A_854 = arith.constant 10 : i32
        %swap3A_855 = arith.index_cast %rem3A_665 : i32 to index
        %swap3A_856 = arith.index_cast %swap3A_854 : i32 to index
        %swap3A_857 = arith.index_cast %mul3A_761 : i32 to index
        %swap3A_858 = tpu.vector_load %arg7[%swap3A_855, %swap3A_856, %swap3A_857] {strides = array<i32>} : memref<8x16x768xf32, #tpu.memory_space<vmem>>, vector<1x1x16xf32>,
        %swap3A_859 = vector.shape_cast %swap3A_858 : vector<1x1x16xf32> to vector<16xf32>
        %swap3A_860 = vector.shape_cast %get3A_778 : vector<16xf32> to vector<1x1x16xf32>
        tpu.vector_store %arg7[%swap3A_855, %swap3A_856, %swap3A_857], %swap3A_860 {add = true, strides = array<i32>} : memref<8x16x768xf32, #tpu.memory_space<vmem>>, vector<1x1x16xf32>,
        %swap3A_861 = arith.constant 11 : i32
        %swap3A_862 = arith.index_cast %rem3A_665 : i32 to index
        %swap3A_863 = arith.index_cast %swap3A_861 : i32 to index
        %swap3A_864 = arith.index_cast %mul3A_761 : i32 to index
        %swap3A_865 = tpu.vector_load %arg7[%swap3A_862, %swap3A_863, %swap3A_864] {strides = array<i32>} : memref<8x16x768xf32, #tpu.memory_space<vmem>>, vector<1x1x16xf32>,
        %swap3A_866 = vector.shape_cast %swap3A_865 : vector<1x1x16xf32> to vector<16xf32>
        %swap3A_867 = vector.shape_cast %get3A_778 : vector<16xf32> to vector<1x1x16xf32>
        tpu.vector_store %arg7[%swap3A_862, %swap3A_863, %swap3A_864], %swap3A_867 {add = true, strides = array<i32>} : memref<8x16x768xf32, #tpu.memory_space<vmem>>, vector<1x1x16xf32>,
        %swap3A_868 = arith.constant 12 : i32
        %swap3A_869 = arith.index_cast %rem3A_665 : i32 to index
        %swap3A_870 = arith.index_cast %swap3A_868 : i32 to index
        %swap3A_871 = arith.index_cast %mul3A_761 : i32 to index
        %swap3A_872 = tpu.vector_load %arg7[%swap3A_869, %swap3A_870, %swap3A_871] {strides = array<i32>} : memref<8x16x768xf32, #tpu.memory_space<vmem>>, vector<1x1x16xf32>,
        %swap3A_873 = vector.shape_cast %swap3A_872 : vector<1x1x16xf32> to vector<16xf32>
        %swap3A_874 = vector.shape_cast %get3A_784 : vector<16xf32> to vector<1x1x16xf32>
        tpu.vector_store %arg7[%swap3A_869, %swap3A_870, %swap3A_871], %swap3A_874 {add = true, strides = array<i32>} : memref<8x16x768xf32, #tpu.memory_space<vmem>>, vector<1x1x16xf32>,
        %swap3A_875 = arith.constant 13 : i32
        %swap3A_876 = arith.index_cast %rem3A_665 : i32 to index
        %swap3A_877 = arith.index_cast %swap3A_875 : i32 to index
        %swap3A_878 = arith.index_cast %mul3A_761 : i32 to index
        %swap3A_879 = tpu.vector_load %arg7[%swap3A_876, %swap3A_877, %swap3A_878] {strides = array<i32>} : memref<8x16x768xf32, #tpu.memory_space<vmem>>, vector<1x1x16xf32>,
        %swap3A_880 = vector.shape_cast %swap3A_879 : vector<1x1x16xf32> to vector<16xf32>
        %swap3A_881 = vector.shape_cast %get3A_784 : vector<16xf32> to vector<1x1x16xf32>
        tpu.vector_store %arg7[%swap3A_876, %swap3A_877, %swap3A_878], %swap3A_881 {add = true, strides = array<i32>} : memref<8x16x768xf32, #tpu.memory_space<vmem>>, vector<1x1x16xf32>,
        %swap3A_882 = arith.constant 14 : i32
        %swap3A_883 = arith.index_cast %rem3A_665 : i32 to index
        %swap3A_884 = arith.index_cast %swap3A_882 : i32 to index
        %swap3A_885 = arith.index_cast %mul3A_761 : i32 to index
        %swap3A_886 = tpu.vector_load %arg7[%swap3A_883, %swap3A_884, %swap3A_885] {strides = array<i32>} : memref<8x16x768xf32, #tpu.memory_space<vmem>>, vector<1x1x16xf32>,
        %swap3A_887 = vector.shape_cast %swap3A_886 : vector<1x1x16xf32> to vector<16xf32>
        %swap3A_888 = vector.shape_cast %get3A_784 : vector<16xf32> to vector<1x1x16xf32>
        tpu.vector_store %arg7[%swap3A_883, %swap3A_884, %swap3A_885], %swap3A_888 {add = true, strides = array<i32>} : memref<8x16x768xf32, #tpu.memory_space<vmem>>, vector<1x1x16xf32>,
        %swap3A_889 = arith.constant 15 : i32
        %swap3A_890 = arith.index_cast %rem3A_665 : i32 to index
        %swap3A_891 = arith.index_cast %swap3A_889 : i32 to index
        %swap3A_892 = arith.index_cast %mul3A_761 : i32 to index
        %swap3A_893 = tpu.vector_load %arg7[%swap3A_890, %swap3A_891, %swap3A_892] {strides = array<i32>} : memref<8x16x768xf32, #tpu.memory_space<vmem>>, vector<1x1x16xf32>,
        %swap3A_894 = vector.shape_cast %swap3A_893 : vector<1x1x16xf32> to vector<16xf32>
        %swap3A_895 = vector.shape_cast %get3A_784 : vector<16xf32> to vector<1x1x16xf32>
        tpu.vector_store %arg7[%swap3A_890, %swap3A_891, %swap3A_892], %swap3A_895 {add = true, strides = array<i32>} : memref<8x16x768xf32, #tpu.memory_space<vmem>>, vector<1x1x16xf32>,
      }
      %scan3A_713 = arith.constant 48 : i32
      %add3A_714 = arith.constant 8 : i32
      %add3A_715 = arith.addi %scan3A_664, %add3A_714 : i32
      %sub3A = arith.constant 1 : i32
      %sub3A_716 = arith.subi %add3A_715, %sub3A : i32
      %lt3A = arith.constant 64 : i32
      %lt3A_717 = arith.cmpi slt, %sub3A_716, %lt3A : i32
      %convert_element_type3A = arith.extui %lt3A_717 : i1 to i32
      %cond3A = arith.constant 0 : i32
      %cond3A_718 = arith.cmpi ne, %convert_element_type3A, %cond3A : i32
      scf.if %cond3A_718 {
        %add3A_759 = arith.constant 8 : i32
        %add3A_760 = arith.addi %scan3A_664, %add3A_759 : i32
        %sub3A_761 = arith.constant 1 : i32
        %sub3A_762 = arith.subi %add3A_760, %sub3A_761 : i32
        %rem3A_763 = arith.constant 8 : i32
        %rem3A_764 = arith.remsi %sub3A_762, %rem3A_763 : i32
        %ge3A = arith.constant 1 : i32
        %ge3A_765 = arith.cmpi sge, %scan3A_664, %ge3A : i32
        %convert_element_type3A_766 = arith.extui %ge3A_765 : i1 to i32
        %cond3A_767 = arith.constant 0 : i32
        %cond3A_768 = arith.cmpi ne, %convert_element_type3A_766, %cond3A_767 : i32
        scf.if %cond3A_768 {
          %dma_wait3A_814 = arith.constant 0 : i32
          %dma_wait3A_815 = arith.constant 0 : i32
          %dma_wait3A_816 = tpu.memref_slice %arg7[%rem3A_764, %dma_wait3A_814, %dma_wait3A_815] : memref<8x16x768xf32, #tpu.memory_space<vmem>> -> memref<1x8x768xf32, #tpu.memory_space<vmem>>
          %dma_wait3A_817 = tpu.memref_squeeze %dma_wait3A_816 : memref<1x8x768xf32, #tpu.memory_space<vmem>> -> memref<8x768xf32, #tpu.memory_space<vmem>>
          %dma_wait3A_818 = tpu.memref_reshape %arg5 : memref<8192x4x768xf32, #tpu.memory_space<hbm>> -> memref<32768x768xf32, #tpu.memory_space<hbm>>
          %dma_wait3A_819 = arith.constant 0 : i32
          %dma_wait3A_820 = arith.constant 0 : i32
          %dma_wait3A_821 = tpu.memref_slice %dma_wait3A_818[%dma_wait3A_819, %dma_wait3A_820] : memref<32768x768xf32, #tpu.memory_space<hbm>> -> memref<8x768xf32, #tpu.memory_space<hbm>>
          %dma_wait3A_822 = tpu.memref_slice %arg11[%rem3A_764] : memref<8x!tpu.dma_semaphore, #tpu.memory_space<semaphore_mem>> -> memref<1x!tpu.dma_semaphore, #tpu.memory_space<semaphore_mem>>
          %dma_wait3A_823 = tpu.memref_squeeze %dma_wait3A_822 : memref<1x!tpu.dma_semaphore, #tpu.memory_space<semaphore_mem>> -> memref<!tpu.dma_semaphore, #tpu.memory_space<semaphore_mem>>
          %dma_wait3A_824 = tpu.memref_reshape %arg5 : memref<8192x4x768xf32, #tpu.memory_space<hbm>> -> memref<32768x768xf32, #tpu.memory_space<hbm>>
          %dma_wait3A_825 = arith.constant 0 : i32
          %dma_wait3A_826 = arith.constant 0 : i32
          %dma_wait3A_827 = tpu.memref_slice %dma_wait3A_824[%dma_wait3A_825, %dma_wait3A_826] : memref<32768x768xf32, #tpu.memory_space<hbm>> -> memref<8x768xf32, #tpu.memory_space<hbm>>
          %dma_wait3A_828 = arith.constant 0 : i32
          %dma_wait3A_829 = arith.constant 0 : i32
          %dma_wait3A_830 = tpu.memref_slice %arg7[%rem3A_764, %dma_wait3A_828, %dma_wait3A_829] : memref<8x16x768xf32, #tpu.memory_space<vmem>> -> memref<1x8x768xf32, #tpu.memory_space<vmem>>
          %dma_wait3A_831 = tpu.memref_squeeze %dma_wait3A_830 : memref<1x8x768xf32, #tpu.memory_space<vmem>> -> memref<8x768xf32, #tpu.memory_space<vmem>>
          tpu.wait_dma2 semaphore(%dma_wait3A_823 : memref<!tpu.dma_semaphore, #tpu.memory_space<semaphore_mem>>) src(%dma_wait3A_831 : memref<8x768xf32, #tpu.memory_space<vmem>>) dst(%dma_wait3A_827 : memref<8x768xf32, #tpu.memory_space<hbm>>)
          %dma_wait3A_832 = arith.constant 8 : i32
          %dma_wait3A_833 = arith.constant 0 : i32
          %dma_wait3A_834 = tpu.memref_slice %arg7[%rem3A_764, %dma_wait3A_832, %dma_wait3A_833] : memref<8x16x768xf32, #tpu.memory_space<vmem>> -> memref<1x8x768xf32, #tpu.memory_space<vmem>>
          %dma_wait3A_835 = tpu.memref_squeeze %dma_wait3A_834 : memref<1x8x768xf32, #tpu.memory_space<vmem>> -> memref<8x768xf32, #tpu.memory_space<vmem>>
          %dma_wait3A_836 = tpu.memref_reshape %arg5 : memref<8192x4x768xf32, #tpu.memory_space<hbm>> -> memref<32768x768xf32, #tpu.memory_space<hbm>>
          %dma_wait3A_837 = arith.constant 0 : i32
          %dma_wait3A_838 = arith.constant 0 : i32
          %dma_wait3A_839 = tpu.memref_slice %dma_wait3A_836[%dma_wait3A_837, %dma_wait3A_838] : memref<32768x768xf32, #tpu.memory_space<hbm>> -> memref<8x768xf32, #tpu.memory_space<hbm>>
          %dma_wait3A_840 = tpu.memref_slice %arg11[%rem3A_764] : memref<8x!tpu.dma_semaphore, #tpu.memory_space<semaphore_mem>> -> memref<1x!tpu.dma_semaphore, #tpu.memory_space<semaphore_mem>>
          %dma_wait3A_841 = tpu.memref_squeeze %dma_wait3A_840 : memref<1x!tpu.dma_semaphore, #tpu.memory_space<semaphore_mem>> -> memref<!tpu.dma_semaphore, #tpu.memory_space<semaphore_mem>>
          %dma_wait3A_842 = tpu.memref_reshape %arg5 : memref<8192x4x768xf32, #tpu.memory_space<hbm>> -> memref<32768x768xf32, #tpu.memory_space<hbm>>
          %dma_wait3A_843 = arith.constant 0 : i32
          %dma_wait3A_844 = arith.constant 0 : i32
          %dma_wait3A_845 = tpu.memref_slice %dma_wait3A_842[%dma_wait3A_843, %dma_wait3A_844] : memref<32768x768xf32, #tpu.memory_space<hbm>> -> memref<8x768xf32, #tpu.memory_space<hbm>>
          %dma_wait3A_846 = arith.constant 8 : i32
          %dma_wait3A_847 = arith.constant 0 : i32
          %dma_wait3A_848 = tpu.memref_slice %arg7[%rem3A_764, %dma_wait3A_846, %dma_wait3A_847] : memref<8x16x768xf32, #tpu.memory_space<vmem>> -> memref<1x8x768xf32, #tpu.memory_space<vmem>>
          %dma_wait3A_849 = tpu.memref_squeeze %dma_wait3A_848 : memref<1x8x768xf32, #tpu.memory_space<vmem>> -> memref<8x768xf32, #tpu.memory_space<vmem>>
          tpu.wait_dma2 semaphore(%dma_wait3A_841 : memref<!tpu.dma_semaphore, #tpu.memory_space<semaphore_mem>>) src(%dma_wait3A_849 : memref<8x768xf32, #tpu.memory_space<vmem>>) dst(%dma_wait3A_845 : memref<8x768xf32, #tpu.memory_space<hbm>>)
        } else {
        }
        %add3A_769 = arith.constant 8 : i32
        %add3A_770 = arith.addi %scan3A_664, %add3A_769 : i32
        %sub3A_771 = arith.constant 1 : i32
        %sub3A_772 = arith.subi %add3A_770, %sub3A_771 : i32
        %dma_start3A_773 = arith.constant 0 : i32
        %dma_start3A_774 = arith.constant 0 : i32
        %dma_start3A_775 = tpu.memref_slice %arg7[%rem3A_764, %dma_start3A_773, %dma_start3A_774] : memref<8x16x768xf32, #tpu.memory_space<vmem>> -> memref<1x8x768xf32, #tpu.memory_space<vmem>>
        %dma_start3A_776 = tpu.memref_squeeze %dma_start3A_775 : memref<1x8x768xf32, #tpu.memory_space<vmem>> -> memref<8x768xf32, #tpu.memory_space<vmem>>
        %dma_start3A_777 = arith.constant 0 : i32
        %dma_start3A_778 = tpu.memref_slice %arg6[%sub3A_772, %dma_start3A_777] : memref<64x16xi32, #tpu.memory_space<vmem>> -> memref<1x8xi32, #tpu.memory_space<vmem>>
        %dma_start3A_779 = tpu.memref_squeeze %dma_start3A_778 : memref<1x8xi32, #tpu.memory_space<vmem>> -> memref<8xi32, #tpu.memory_space<vmem>>
        %dma_start3A_780 = arith.constant 0 : i32
        %dma_start3A_781 = arith.constant 0 : i32
        %dma_start3A_782 = tpu.memref_slice %arg3[%dma_start3A_780, %dma_start3A_781] : memref<100000x768xf32, #tpu.memory_space<hbm>> -> memref<100000x768xf32, #tpu.memory_space<hbm>>
        %dma_start3A_783 = tpu.memref_slice %arg9[%rem3A_764] : memref<8x!tpu.dma_semaphore, #tpu.memory_space<semaphore_mem>> -> memref<1x!tpu.dma_semaphore, #tpu.memory_space<semaphore_mem>>
        %dma_start3A_784 = tpu.memref_squeeze %dma_start3A_783 : memref<1x!tpu.dma_semaphore, #tpu.memory_space<semaphore_mem>> -> memref<!tpu.dma_semaphore, #tpu.memory_space<semaphore_mem>>
        tpu.enqueue_indirect_dma source(%dma_start3A_782 : memref<100000x768xf32, #tpu.memory_space<hbm>>) target(%dma_start3A_776 : memref<8x768xf32, #tpu.memory_space<vmem>>) offsets(%dma_start3A_779 : memref<8xi32, #tpu.memory_space<vmem>>) semaphore(%dma_start3A_784 : memref<!tpu.dma_semaphore, #tpu.memory_space<semaphore_mem>>)
        %dma_start3A_785 = arith.constant 8 : i32
        %dma_start3A_786 = arith.constant 0 : i32
        %dma_start3A_787 = tpu.memref_slice %arg7[%rem3A_764, %dma_start3A_785, %dma_start3A_786] : memref<8x16x768xf32, #tpu.memory_space<vmem>> -> memref<1x8x768xf32, #tpu.memory_space<vmem>>
        %dma_start3A_788 = tpu.memref_squeeze %dma_start3A_787 : memref<1x8x768xf32, #tpu.memory_space<vmem>> -> memref<8x768xf32, #tpu.memory_space<vmem>>
        %dma_start3A_789 = arith.constant 8 : i32
        %dma_start3A_790 = tpu.memref_slice %arg6[%sub3A_772, %dma_start3A_789] : memref<64x16xi32, #tpu.memory_space<vmem>> -> memref<1x8xi32, #tpu.memory_space<vmem>>
        %dma_start3A_791 = tpu.memref_squeeze %dma_start3A_790 : memref<1x8xi32, #tpu.memory_space<vmem>> -> memref<8xi32, #tpu.memory_space<vmem>>
        %dma_start3A_792 = arith.constant 0 : i32
        %dma_start3A_793 = arith.constant 0 : i32
        %dma_start3A_794 = tpu.memref_slice %arg3[%dma_start3A_792, %dma_start3A_793] : memref<100000x768xf32, #tpu.memory_space<hbm>> -> memref<100000x768xf32, #tpu.memory_space<hbm>>
        %dma_start3A_795 = tpu.memref_slice %arg9[%rem3A_764] : memref<8x!tpu.dma_semaphore, #tpu.memory_space<semaphore_mem>> -> memref<1x!tpu.dma_semaphore, #tpu.memory_space<semaphore_mem>>
        %dma_start3A_796 = tpu.memref_squeeze %dma_start3A_795 : memref<1x!tpu.dma_semaphore, #tpu.memory_space<semaphore_mem>> -> memref<!tpu.dma_semaphore, #tpu.memory_space<semaphore_mem>>
        tpu.enqueue_indirect_dma source(%dma_start3A_794 : memref<100000x768xf32, #tpu.memory_space<hbm>>) target(%dma_start3A_788 : memref<8x768xf32, #tpu.memory_space<vmem>>) offsets(%dma_start3A_791 : memref<8xi32, #tpu.memory_space<vmem>>) semaphore(%dma_start3A_796 : memref<!tpu.dma_semaphore, #tpu.memory_space<semaphore_mem>>)
        %mul3A_797 = arith.constant 4 : i32
        %mul3A_798 = arith.muli %sub3A_772, %mul3A_797 : i32
        %add3A_799 = arith.addi %mul3A_4, %mul3A_798 : i32
        %dma_start3A_800 = arith.constant 0 : i32
        %dma_start3A_801 = arith.constant 0 : i32
        %dma_start3A_802 = tpu.memref_slice %arg8[%rem3A_764, %dma_start3A_800, %dma_start3A_801] : memref<8x4x768xf32, #tpu.memory_space<vmem>> -> memref<1x4x768xf32, #tpu.memory_space<vmem>>
        %dma_start3A_803 = tpu.memref_squeeze %dma_start3A_802 : memref<1x4x768xf32, #tpu.memory_space<vmem>> -> memref<4x768xf32, #tpu.memory_space<vmem>>
        %dma_start3A_804 = arith.constant 0 : i32
        %dma_start3A_805 = tpu.memref_slice %arg4[%add3A_799, %dma_start3A_804] : memref<8192x768xf32, #tpu.memory_space<hbm>> -> memref<4x768xf32, #tpu.memory_space<hbm>>
        %dma_start3A_806 = tpu.memref_slice %arg10[%rem3A_764] : memref<8x!tpu.dma_semaphore, #tpu.memory_space<semaphore_mem>> -> memref<1x!tpu.dma_semaphore, #tpu.memory_space<semaphore_mem>>
        %dma_start3A_807 = tpu.memref_squeeze %dma_start3A_806 : memref<1x!tpu.dma_semaphore, #tpu.memory_space<semaphore_mem>> -> memref<!tpu.dma_semaphore, #tpu.memory_space<semaphore_mem>>
        %dma_start3A_808 = arith.constant 0 : i32
        %dma_start3A_809 = arith.constant 0 : i32
        %dma_start3A_810 = tpu.memref_slice %arg8[%rem3A_764, %dma_start3A_808, %dma_start3A_809] : memref<8x4x768xf32, #tpu.memory_space<vmem>> -> memref<1x4x768xf32, #tpu.memory_space<vmem>>
        %dma_start3A_811 = tpu.memref_squeeze %dma_start3A_810 : memref<1x4x768xf32, #tpu.memory_space<vmem>> -> memref<4x768xf32, #tpu.memory_space<vmem>>
        %dma_start3A_812 = arith.constant 0 : i32
        %dma_start3A_813 = tpu.memref_slice %arg4[%add3A_799, %dma_start3A_812] : memref<8192x768xf32, #tpu.memory_space<hbm>> -> memref<4x768xf32, #tpu.memory_space<hbm>>
        tpu.enqueue_dma source(%dma_start3A_813 : memref<4x768xf32, #tpu.memory_space<hbm>>) target(%dma_start3A_811 : memref<4x768xf32, #tpu.memory_space<vmem>>) target_semaphore(%dma_start3A_807 : memref<!tpu.dma_semaphore, #tpu.memory_space<semaphore_mem>>)
      } else {
      }
      %mul3A_719 = arith.constant 16 : i32
      %mul3A_720 = arith.muli %scan3A_664, %mul3A_719 : i32
      %add3A_721 = arith.addi %mul3A_2, %mul3A_720 : i32
      %dma_start3A_722 = arith.constant 0 : i32
      %dma_start3A_723 = arith.constant 0 : i32
      %dma_start3A_724 = tpu.memref_slice %arg7[%rem3A_665, %dma_start3A_722, %dma_start3A_723] : memref<8x16x768xf32, #tpu.memory_space<vmem>> -> memref<1x8x768xf32, #tpu.memory_space<vmem>>
      %dma_start3A_725 = tpu.memref_squeeze %dma_start3A_724 : memref<1x8x768xf32, #tpu.memory_space<vmem>> -> memref<8x768xf32, #tpu.memory_space<vmem>>
      %dma_start3A_726 = tpu.memref_reshape %arg5 : memref<8192x4x768xf32, #tpu.memory_space<hbm>> -> memref<32768x768xf32, #tpu.memory_space<hbm>>
      %dma_start3A_727 = arith.constant 0 : i32
      %dma_start3A_728 = tpu.memref_slice %dma_start3A_726[%add3A_721, %dma_start3A_727] : memref<32768x768xf32, #tpu.memory_space<hbm>> -> memref<8x768xf32, #tpu.memory_space<hbm>>
      %dma_start3A_729 = tpu.memref_slice %arg11[%rem3A_665] : memref<8x!tpu.dma_semaphore, #tpu.memory_space<semaphore_mem>> -> memref<1x!tpu.dma_semaphore, #tpu.memory_space<semaphore_mem>>
      %dma_start3A_730 = tpu.memref_squeeze %dma_start3A_729 : memref<1x!tpu.dma_semaphore, #tpu.memory_space<semaphore_mem>> -> memref<!tpu.dma_semaphore, #tpu.memory_space<semaphore_mem>>
      %dma_start3A_731 = tpu.memref_reshape %arg5 : memref<8192x4x768xf32, #tpu.memory_space<hbm>> -> memref<32768x768xf32, #tpu.memory_space<hbm>>
      %dma_start3A_732 = arith.constant 0 : i32
      %dma_start3A_733 = tpu.memref_slice %dma_start3A_731[%add3A_721, %dma_start3A_732] : memref<32768x768xf32, #tpu.memory_space<hbm>> -> memref<8x768xf32, #tpu.memory_space<hbm>>
      %dma_start3A_734 = arith.constant 0 : i32
      %dma_start3A_735 = arith.constant 0 : i32
      %dma_start3A_736 = tpu.memref_slice %arg7[%rem3A_665, %dma_start3A_734, %dma_start3A_735] : memref<8x16x768xf32, #tpu.memory_space<vmem>> -> memref<1x8x768xf32, #tpu.memory_space<vmem>>
      %dma_start3A_737 = tpu.memref_squeeze %dma_start3A_736 : memref<1x8x768xf32, #tpu.memory_space<vmem>> -> memref<8x768xf32, #tpu.memory_space<vmem>>
      tpu.enqueue_dma source(%dma_start3A_737 : memref<8x768xf32, #tpu.memory_space<vmem>>) target(%dma_start3A_733 : memref<8x768xf32, #tpu.memory_space<hbm>>) target_semaphore(%dma_start3A_730 : memref<!tpu.dma_semaphore, #tpu.memory_space<semaphore_mem>>)
      %mul3A_738 = arith.constant 16 : i32
      %mul3A_739 = arith.muli %scan3A_664, %mul3A_738 : i32
      %add3A_740 = arith.addi %mul3A_2, %mul3A_739 : i32
      %add3A_741 = arith.constant 8 : i32
      %add3A_742 = arith.addi %add3A_740, %add3A_741 : i32
      %dma_start3A_743 = arith.constant 8 : i32
      %dma_start3A_744 = arith.constant 0 : i32
      %dma_start3A_745 = tpu.memref_slice %arg7[%rem3A_665, %dma_start3A_743, %dma_start3A_744] : memref<8x16x768xf32, #tpu.memory_space<vmem>> -> memref<1x8x768xf32, #tpu.memory_space<vmem>>
      %dma_start3A_746 = tpu.memref_squeeze %dma_start3A_745 : memref<1x8x768xf32, #tpu.memory_space<vmem>> -> memref<8x768xf32, #tpu.memory_space<vmem>>
      %dma_start3A_747 = tpu.memref_reshape %arg5 : memref<8192x4x768xf32, #tpu.memory_space<hbm>> -> memref<32768x768xf32, #tpu.memory_space<hbm>>
      %dma_start3A_748 = arith.constant 0 : i32
      %dma_start3A_749 = tpu.memref_slice %dma_start3A_747[%add3A_742, %dma_start3A_748] : memref<32768x768xf32, #tpu.memory_space<hbm>> -> memref<8x768xf32, #tpu.memory_space<hbm>>
      %dma_start3A_750 = tpu.memref_slice %arg11[%rem3A_665] : memref<8x!tpu.dma_semaphore, #tpu.memory_space<semaphore_mem>> -> memref<1x!tpu.dma_semaphore, #tpu.memory_space<semaphore_mem>>
      %dma_start3A_751 = tpu.memref_squeeze %dma_start3A_750 : memref<1x!tpu.dma_semaphore, #tpu.memory_space<semaphore_mem>> -> memref<!tpu.dma_semaphore, #tpu.memory_space<semaphore_mem>>
      %dma_start3A_752 = tpu.memref_reshape %arg5 : memref<8192x4x768xf32, #tpu.memory_space<hbm>> -> memref<32768x768xf32, #tpu.memory_space<hbm>>
      %dma_start3A_753 = arith.constant 0 : i32
      %dma_start3A_754 = tpu.memref_slice %dma_start3A_752[%add3A_742, %dma_start3A_753] : memref<32768x768xf32, #tpu.memory_space<hbm>> -> memref<8x768xf32, #tpu.memory_space<hbm>>
      %dma_start3A_755 = arith.constant 8 : i32
      %dma_start3A_756 = arith.constant 0 : i32
      %dma_start3A_757 = tpu.memref_slice %arg7[%rem3A_665, %dma_start3A_755, %dma_start3A_756] : memref<8x16x768xf32, #tpu.memory_space<vmem>> -> memref<1x8x768xf32, #tpu.memory_space<vmem>>
      %dma_start3A_758 = tpu.memref_squeeze %dma_start3A_757 : memref<1x8x768xf32, #tpu.memory_space<vmem>> -> memref<8x768xf32, #tpu.memory_space<vmem>>
      tpu.enqueue_dma source(%dma_start3A_758 : memref<8x768xf32, #tpu.memory_space<vmem>>) target(%dma_start3A_754 : memref<8x768xf32, #tpu.memory_space<hbm>>) target_semaphore(%dma_start3A_751 : memref<!tpu.dma_semaphore, #tpu.memory_space<semaphore_mem>>)
    }
    %scan3A_344 = arith.constant 64 : i32
    %dma_wait3A = arith.constant 0 : i32
    %dma_wait3A_345 = arith.constant 0 : i32
    %dma_wait3A_346 = arith.constant 0 : i32
    %dma_wait3A_347 = arith.constant 0 : i32
    %dma_wait3A_348 = tpu.memref_slice %arg7[%dma_wait3A, %dma_wait3A_346, %dma_wait3A_347] : memref<8x16x768xf32, #tpu.memory_space<vmem>> -> memref<1x8x768xf32, #tpu.memory_space<vmem>>
    %dma_wait3A_349 = tpu.memref_squeeze %dma_wait3A_348 : memref<1x8x768xf32, #tpu.memory_space<vmem>> -> memref<8x768xf32, #tpu.memory_space<vmem>>
    %dma_wait3A_350 = tpu.memref_reshape %arg5 : memref<8192x4x768xf32, #tpu.memory_space<hbm>> -> memref<32768x768xf32, #tpu.memory_space<hbm>>
    %dma_wait3A_351 = arith.constant 0 : i32
    %dma_wait3A_352 = arith.constant 0 : i32
    %dma_wait3A_353 = tpu.memref_slice %dma_wait3A_350[%dma_wait3A_351, %dma_wait3A_352] : memref<32768x768xf32, #tpu.memory_space<hbm>> -> memref<8x768xf32, #tpu.memory_space<hbm>>
    %dma_wait3A_354 = tpu.memref_slice %arg11[%dma_wait3A_345] : memref<8x!tpu.dma_semaphore, #tpu.memory_space<semaphore_mem>> -> memref<1x!tpu.dma_semaphore, #tpu.memory_space<semaphore_mem>>
    %dma_wait3A_355 = tpu.memref_squeeze %dma_wait3A_354 : memref<1x!tpu.dma_semaphore, #tpu.memory_space<semaphore_mem>> -> memref<!tpu.dma_semaphore, #tpu.memory_space<semaphore_mem>>
    %dma_wait3A_356 = tpu.memref_reshape %arg5 : memref<8192x4x768xf32, #tpu.memory_space<hbm>> -> memref<32768x768xf32, #tpu.memory_space<hbm>>
    %dma_wait3A_357 = arith.constant 0 : i32
    %dma_wait3A_358 = arith.constant 0 : i32
    %dma_wait3A_359 = tpu.memref_slice %dma_wait3A_356[%dma_wait3A_357, %dma_wait3A_358] : memref<32768x768xf32, #tpu.memory_space<hbm>> -> memref<8x768xf32, #tpu.memory_space<hbm>>
    %dma_wait3A_360 = arith.constant 0 : i32
    %dma_wait3A_361 = arith.constant 0 : i32
    %dma_wait3A_362 = tpu.memref_slice %arg7[%dma_wait3A, %dma_wait3A_360, %dma_wait3A_361] : memref<8x16x768xf32, #tpu.memory_space<vmem>> -> memref<1x8x768xf32, #tpu.memory_space<vmem>>
    %dma_wait3A_363 = tpu.memref_squeeze %dma_wait3A_362 : memref<1x8x768xf32, #tpu.memory_space<vmem>> -> memref<8x768xf32, #tpu.memory_space<vmem>>
    tpu.wait_dma2 semaphore(%dma_wait3A_355 : memref<!tpu.dma_semaphore, #tpu.memory_space<semaphore_mem>>) src(%dma_wait3A_363 : memref<8x768xf32, #tpu.memory_space<vmem>>) dst(%dma_wait3A_359 : memref<8x768xf32, #tpu.memory_space<hbm>>)
    %dma_wait3A_364 = arith.constant 0 : i32
    %dma_wait3A_365 = arith.constant 0 : i32
    %dma_wait3A_366 = arith.constant 8 : i32
    %dma_wait3A_367 = arith.constant 0 : i32
    %dma_wait3A_368 = tpu.memref_slice %arg7[%dma_wait3A_364, %dma_wait3A_366, %dma_wait3A_367] : memref<8x16x768xf32, #tpu.memory_space<vmem>> -> memref<1x8x768xf32, #tpu.memory_space<vmem>>
    %dma_wait3A_369 = tpu.memref_squeeze %dma_wait3A_368 : memref<1x8x768xf32, #tpu.memory_space<vmem>> -> memref<8x768xf32, #tpu.memory_space<vmem>>
    %dma_wait3A_370 = tpu.memref_reshape %arg5 : memref<8192x4x768xf32, #tpu.memory_space<hbm>> -> memref<32768x768xf32, #tpu.memory_space<hbm>>
    %dma_wait3A_371 = arith.constant 0 : i32
    %dma_wait3A_372 = arith.constant 0 : i32
    %dma_wait3A_373 = tpu.memref_slice %dma_wait3A_370[%dma_wait3A_371, %dma_wait3A_372] : memref<32768x768xf32, #tpu.memory_space<hbm>> -> memref<8x768xf32, #tpu.memory_space<hbm>>
    %dma_wait3A_374 = tpu.memref_slice %arg11[%dma_wait3A_365] : memref<8x!tpu.dma_semaphore, #tpu.memory_space<semaphore_mem>> -> memref<1x!tpu.dma_semaphore, #tpu.memory_space<semaphore_mem>>
    %dma_wait3A_375 = tpu.memref_squeeze %dma_wait3A_374 : memref<1x!tpu.dma_semaphore, #tpu.memory_space<semaphore_mem>> -> memref<!tpu.dma_semaphore, #tpu.memory_space<semaphore_mem>>
    %dma_wait3A_376 = tpu.memref_reshape %arg5 : memref<8192x4x768xf32, #tpu.memory_space<hbm>> -> memref<32768x768xf32, #tpu.memory_space<hbm>>
    %dma_wait3A_377 = arith.constant 0 : i32
    %dma_wait3A_378 = arith.constant 0 : i32
    %dma_wait3A_379 = tpu.memref_slice %dma_wait3A_376[%dma_wait3A_377, %dma_wait3A_378] : memref<32768x768xf32, #tpu.memory_space<hbm>> -> memref<8x768xf32, #tpu.memory_space<hbm>>
    %dma_wait3A_380 = arith.constant 8 : i32
    %dma_wait3A_381 = arith.constant 0 : i32
    %dma_wait3A_382 = tpu.memref_slice %arg7[%dma_wait3A_364, %dma_wait3A_380, %dma_wait3A_381] : memref<8x16x768xf32, #tpu.memory_space<vmem>> -> memref<1x8x768xf32, #tpu.memory_space<vmem>>
    %dma_wait3A_383 = tpu.memref_squeeze %dma_wait3A_382 : memref<1x8x768xf32, #tpu.memory_space<vmem>> -> memref<8x768xf32, #tpu.memory_space<vmem>>
    tpu.wait_dma2 semaphore(%dma_wait3A_375 : memref<!tpu.dma_semaphore, #tpu.memory_space<semaphore_mem>>) src(%dma_wait3A_383 : memref<8x768xf32, #tpu.memory_space<vmem>>) dst(%dma_wait3A_379 : memref<8x768xf32, #tpu.memory_space<hbm>>)
    %dma_wait3A_384 = arith.constant 1 : i32
    %dma_wait3A_385 = arith.constant 1 : i32
    %dma_wait3A_386 = arith.constant 0 : i32
    %dma_wait3A_387 = arith.constant 0 : i32
    %dma_wait3A_388 = tpu.memref_slice %arg7[%dma_wait3A_384, %dma_wait3A_386, %dma_wait3A_387] : memref<8x16x768xf32, #tpu.memory_space<vmem>> -> memref<1x8x768xf32, #tpu.memory_space<vmem>>
    %dma_wait3A_389 = tpu.memref_squeeze %dma_wait3A_388 : memref<1x8x768xf32, #tpu.memory_space<vmem>> -> memref<8x768xf32, #tpu.memory_space<vmem>>
    %dma_wait3A_390 = tpu.memref_reshape %arg5 : memref<8192x4x768xf32, #tpu.memory_space<hbm>> -> memref<32768x768xf32, #tpu.memory_space<hbm>>
    %dma_wait3A_391 = arith.constant 0 : i32
    %dma_wait3A_392 = arith.constant 0 : i32
    %dma_wait3A_393 = tpu.memref_slice %dma_wait3A_390[%dma_wait3A_391, %dma_wait3A_392] : memref<32768x768xf32, #tpu.memory_space<hbm>> -> memref<8x768xf32, #tpu.memory_space<hbm>>
    %dma_wait3A_394 = tpu.memref_slice %arg11[%dma_wait3A_385] : memref<8x!tpu.dma_semaphore, #tpu.memory_space<semaphore_mem>> -> memref<1x!tpu.dma_semaphore, #tpu.memory_space<semaphore_mem>>
    %dma_wait3A_395 = tpu.memref_squeeze %dma_wait3A_394 : memref<1x!tpu.dma_semaphore, #tpu.memory_space<semaphore_mem>> -> memref<!tpu.dma_semaphore, #tpu.memory_space<semaphore_mem>>
    %dma_wait3A_396 = tpu.memref_reshape %arg5 : memref<8192x4x768xf32, #tpu.memory_space<hbm>> -> memref<32768x768xf32, #tpu.memory_space<hbm>>
    %dma_wait3A_397 = arith.constant 0 : i32
    %dma_wait3A_398 = arith.constant 0 : i32
    %dma_wait3A_399 = tpu.memref_slice %dma_wait3A_396[%dma_wait3A_397, %dma_wait3A_398] : memref<32768x768xf32, #tpu.memory_space<hbm>> -> memref<8x768xf32, #tpu.memory_space<hbm>>
    %dma_wait3A_400 = arith.constant 0 : i32
    %dma_wait3A_401 = arith.constant 0 : i32
    %dma_wait3A_402 = tpu.memref_slice %arg7[%dma_wait3A_384, %dma_wait3A_400, %dma_wait3A_401] : memref<8x16x768xf32, #tpu.memory_space<vmem>> -> memref<1x8x768xf32, #tpu.memory_space<vmem>>
    %dma_wait3A_403 = tpu.memref_squeeze %dma_wait3A_402 : memref<1x8x768xf32, #tpu.memory_space<vmem>> -> memref<8x768xf32, #tpu.memory_space<vmem>>
    tpu.wait_dma2 semaphore(%dma_wait3A_395 : memref<!tpu.dma_semaphore, #tpu.memory_space<semaphore_mem>>) src(%dma_wait3A_403 : memref<8x768xf32, #tpu.memory_space<vmem>>) dst(%dma_wait3A_399 : memref<8x768xf32, #tpu.memory_space<hbm>>)
    %dma_wait3A_404 = arith.constant 1 : i32
    %dma_wait3A_405 = arith.constant 1 : i32
    %dma_wait3A_406 = arith.constant 8 : i32
    %dma_wait3A_407 = arith.constant 0 : i32
    %dma_wait3A_408 = tpu.memref_slice %arg7[%dma_wait3A_404, %dma_wait3A_406, %dma_wait3A_407] : memref<8x16x768xf32, #tpu.memory_space<vmem>> -> memref<1x8x768xf32, #tpu.memory_space<vmem>>
    %dma_wait3A_409 = tpu.memref_squeeze %dma_wait3A_408 : memref<1x8x768xf32, #tpu.memory_space<vmem>> -> memref<8x768xf32, #tpu.memory_space<vmem>>
    %dma_wait3A_410 = tpu.memref_reshape %arg5 : memref<8192x4x768xf32, #tpu.memory_space<hbm>> -> memref<32768x768xf32, #tpu.memory_space<hbm>>
    %dma_wait3A_411 = arith.constant 0 : i32
    %dma_wait3A_412 = arith.constant 0 : i32
    %dma_wait3A_413 = tpu.memref_slice %dma_wait3A_410[%dma_wait3A_411, %dma_wait3A_412] : memref<32768x768xf32, #tpu.memory_space<hbm>> -> memref<8x768xf32, #tpu.memory_space<hbm>>
    %dma_wait3A_414 = tpu.memref_slice %arg11[%dma_wait3A_405] : memref<8x!tpu.dma_semaphore, #tpu.memory_space<semaphore_mem>> -> memref<1x!tpu.dma_semaphore, #tpu.memory_space<semaphore_mem>>
    %dma_wait3A_415 = tpu.memref_squeeze %dma_wait3A_414 : memref<1x!tpu.dma_semaphore, #tpu.memory_space<semaphore_mem>> -> memref<!tpu.dma_semaphore, #tpu.memory_space<semaphore_mem>>
    %dma_wait3A_416 = tpu.memref_reshape %arg5 : memref<8192x4x768xf32, #tpu.memory_space<hbm>> -> memref<32768x768xf32, #tpu.memory_space<hbm>>
    %dma_wait3A_417 = arith.constant 0 : i32
    %dma_wait3A_418 = arith.constant 0 : i32
    %dma_wait3A_419 = tpu.memref_slice %dma_wait3A_416[%dma_wait3A_417, %dma_wait3A_418] : memref<32768x768xf32, #tpu.memory_space<hbm>> -> memref<8x768xf32, #tpu.memory_space<hbm>>
    %dma_wait3A_420 = arith.constant 8 : i32
    %dma_wait3A_421 = arith.constant 0 : i32
    %dma_wait3A_422 = tpu.memref_slice %arg7[%dma_wait3A_404, %dma_wait3A_420, %dma_wait3A_421] : memref<8x16x768xf32, #tpu.memory_space<vmem>> -> memref<1x8x768xf32, #tpu.memory_space<vmem>>
    %dma_wait3A_423 = tpu.memref_squeeze %dma_wait3A_422 : memref<1x8x768xf32, #tpu.memory_space<vmem>> -> memref<8x768xf32, #tpu.memory_space<vmem>>
    tpu.wait_dma2 semaphore(%dma_wait3A_415 : memref<!tpu.dma_semaphore, #tpu.memory_space<semaphore_mem>>) src(%dma_wait3A_423 : memref<8x768xf32, #tpu.memory_space<vmem>>) dst(%dma_wait3A_419 : memref<8x768xf32, #tpu.memory_space<hbm>>)
    %dma_wait3A_424 = arith.constant 2 : i32
    %dma_wait3A_425 = arith.constant 2 : i32
    %dma_wait3A_426 = arith.constant 0 : i32
    %dma_wait3A_427 = arith.constant 0 : i32
    %dma_wait3A_428 = tpu.memref_slice %arg7[%dma_wait3A_424, %dma_wait3A_426, %dma_wait3A_427] : memref<8x16x768xf32, #tpu.memory_space<vmem>> -> memref<1x8x768xf32, #tpu.memory_space<vmem>>
    %dma_wait3A_429 = tpu.memref_squeeze %dma_wait3A_428 : memref<1x8x768xf32, #tpu.memory_space<vmem>> -> memref<8x768xf32, #tpu.memory_space<vmem>>
    %dma_wait3A_430 = tpu.memref_reshape %arg5 : memref<8192x4x768xf32, #tpu.memory_space<hbm>> -> memref<32768x768xf32, #tpu.memory_space<hbm>>
    %dma_wait3A_431 = arith.constant 0 : i32
    %dma_wait3A_432 = arith.constant 0 : i32
    %dma_wait3A_433 = tpu.memref_slice %dma_wait3A_430[%dma_wait3A_431, %dma_wait3A_432] : memref<32768x768xf32, #tpu.memory_space<hbm>> -> memref<8x768xf32, #tpu.memory_space<hbm>>
    %dma_wait3A_434 = tpu.memref_slice %arg11[%dma_wait3A_425] : memref<8x!tpu.dma_semaphore, #tpu.memory_space<semaphore_mem>> -> memref<1x!tpu.dma_semaphore, #tpu.memory_space<semaphore_mem>>
    %dma_wait3A_435 = tpu.memref_squeeze %dma_wait3A_434 : memref<1x!tpu.dma_semaphore, #tpu.memory_space<semaphore_mem>> -> memref<!tpu.dma_semaphore, #tpu.memory_space<semaphore_mem>>
    %dma_wait3A_436 = tpu.memref_reshape %arg5 : memref<8192x4x768xf32, #tpu.memory_space<hbm>> -> memref<32768x768xf32, #tpu.memory_space<hbm>>
    %dma_wait3A_437 = arith.constant 0 : i32
    %dma_wait3A_438 = arith.constant 0 : i32
    %dma_wait3A_439 = tpu.memref_slice %dma_wait3A_436[%dma_wait3A_437, %dma_wait3A_438] : memref<32768x768xf32, #tpu.memory_space<hbm>> -> memref<8x768xf32, #tpu.memory_space<hbm>>
    %dma_wait3A_440 = arith.constant 0 : i32
    %dma_wait3A_441 = arith.constant 0 : i32
    %dma_wait3A_442 = tpu.memref_slice %arg7[%dma_wait3A_424, %dma_wait3A_440, %dma_wait3A_441] : memref<8x16x768xf32, #tpu.memory_space<vmem>> -> memref<1x8x768xf32, #tpu.memory_space<vmem>>
    %dma_wait3A_443 = tpu.memref_squeeze %dma_wait3A_442 : memref<1x8x768xf32, #tpu.memory_space<vmem>> -> memref<8x768xf32, #tpu.memory_space<vmem>>
    tpu.wait_dma2 semaphore(%dma_wait3A_435 : memref<!tpu.dma_semaphore, #tpu.memory_space<semaphore_mem>>) src(%dma_wait3A_443 : memref<8x768xf32, #tpu.memory_space<vmem>>) dst(%dma_wait3A_439 : memref<8x768xf32, #tpu.memory_space<hbm>>)
    %dma_wait3A_444 = arith.constant 2 : i32
    %dma_wait3A_445 = arith.constant 2 : i32
    %dma_wait3A_446 = arith.constant 8 : i32
    %dma_wait3A_447 = arith.constant 0 : i32
    %dma_wait3A_448 = tpu.memref_slice %arg7[%dma_wait3A_444, %dma_wait3A_446, %dma_wait3A_447] : memref<8x16x768xf32, #tpu.memory_space<vmem>> -> memref<1x8x768xf32, #tpu.memory_space<vmem>>
    %dma_wait3A_449 = tpu.memref_squeeze %dma_wait3A_448 : memref<1x8x768xf32, #tpu.memory_space<vmem>> -> memref<8x768xf32, #tpu.memory_space<vmem>>
    %dma_wait3A_450 = tpu.memref_reshape %arg5 : memref<8192x4x768xf32, #tpu.memory_space<hbm>> -> memref<32768x768xf32, #tpu.memory_space<hbm>>
    %dma_wait3A_451 = arith.constant 0 : i32
    %dma_wait3A_452 = arith.constant 0 : i32
    %dma_wait3A_453 = tpu.memref_slice %dma_wait3A_450[%dma_wait3A_451, %dma_wait3A_452] : memref<32768x768xf32, #tpu.memory_space<hbm>> -> memref<8x768xf32, #tpu.memory_space<hbm>>
    %dma_wait3A_454 = tpu.memref_slice %arg11[%dma_wait3A_445] : memref<8x!tpu.dma_semaphore, #tpu.memory_space<semaphore_mem>> -> memref<1x!tpu.dma_semaphore, #tpu.memory_space<semaphore_mem>>
    %dma_wait3A_455 = tpu.memref_squeeze %dma_wait3A_454 : memref<1x!tpu.dma_semaphore, #tpu.memory_space<semaphore_mem>> -> memref<!tpu.dma_semaphore, #tpu.memory_space<semaphore_mem>>
    %dma_wait3A_456 = tpu.memref_reshape %arg5 : memref<8192x4x768xf32, #tpu.memory_space<hbm>> -> memref<32768x768xf32, #tpu.memory_space<hbm>>
    %dma_wait3A_457 = arith.constant 0 : i32
    %dma_wait3A_458 = arith.constant 0 : i32
    %dma_wait3A_459 = tpu.memref_slice %dma_wait3A_456[%dma_wait3A_457, %dma_wait3A_458] : memref<32768x768xf32, #tpu.memory_space<hbm>> -> memref<8x768xf32, #tpu.memory_space<hbm>>
    %dma_wait3A_460 = arith.constant 8 : i32
    %dma_wait3A_461 = arith.constant 0 : i32
    %dma_wait3A_462 = tpu.memref_slice %arg7[%dma_wait3A_444, %dma_wait3A_460, %dma_wait3A_461] : memref<8x16x768xf32, #tpu.memory_space<vmem>> -> memref<1x8x768xf32, #tpu.memory_space<vmem>>
    %dma_wait3A_463 = tpu.memref_squeeze %dma_wait3A_462 : memref<1x8x768xf32, #tpu.memory_space<vmem>> -> memref<8x768xf32, #tpu.memory_space<vmem>>
    tpu.wait_dma2 semaphore(%dma_wait3A_455 : memref<!tpu.dma_semaphore, #tpu.memory_space<semaphore_mem>>) src(%dma_wait3A_463 : memref<8x768xf32, #tpu.memory_space<vmem>>) dst(%dma_wait3A_459 : memref<8x768xf32, #tpu.memory_space<hbm>>)
    %dma_wait3A_464 = arith.constant 3 : i32
    %dma_wait3A_465 = arith.constant 3 : i32
    %dma_wait3A_466 = arith.constant 0 : i32
    %dma_wait3A_467 = arith.constant 0 : i32
    %dma_wait3A_468 = tpu.memref_slice %arg7[%dma_wait3A_464, %dma_wait3A_466, %dma_wait3A_467] : memref<8x16x768xf32, #tpu.memory_space<vmem>> -> memref<1x8x768xf32, #tpu.memory_space<vmem>>
    %dma_wait3A_469 = tpu.memref_squeeze %dma_wait3A_468 : memref<1x8x768xf32, #tpu.memory_space<vmem>> -> memref<8x768xf32, #tpu.memory_space<vmem>>
    %dma_wait3A_470 = tpu.memref_reshape %arg5 : memref<8192x4x768xf32, #tpu.memory_space<hbm>> -> memref<32768x768xf32, #tpu.memory_space<hbm>>
    %dma_wait3A_471 = arith.constant 0 : i32
    %dma_wait3A_472 = arith.constant 0 : i32
    %dma_wait3A_473 = tpu.memref_slice %dma_wait3A_470[%dma_wait3A_471, %dma_wait3A_472] : memref<32768x768xf32, #tpu.memory_space<hbm>> -> memref<8x768xf32, #tpu.memory_space<hbm>>
    %dma_wait3A_474 = tpu.memref_slice %arg11[%dma_wait3A_465] : memref<8x!tpu.dma_semaphore, #tpu.memory_space<semaphore_mem>> -> memref<1x!tpu.dma_semaphore, #tpu.memory_space<semaphore_mem>>
    %dma_wait3A_475 = tpu.memref_squeeze %dma_wait3A_474 : memref<1x!tpu.dma_semaphore, #tpu.memory_space<semaphore_mem>> -> memref<!tpu.dma_semaphore, #tpu.memory_space<semaphore_mem>>
    %dma_wait3A_476 = tpu.memref_reshape %arg5 : memref<8192x4x768xf32, #tpu.memory_space<hbm>> -> memref<32768x768xf32, #tpu.memory_space<hbm>>
    %dma_wait3A_477 = arith.constant 0 : i32
    %dma_wait3A_478 = arith.constant 0 : i32
    %dma_wait3A_479 = tpu.memref_slice %dma_wait3A_476[%dma_wait3A_477, %dma_wait3A_478] : memref<32768x768xf32, #tpu.memory_space<hbm>> -> memref<8x768xf32, #tpu.memory_space<hbm>>
    %dma_wait3A_480 = arith.constant 0 : i32
    %dma_wait3A_481 = arith.constant 0 : i32
    %dma_wait3A_482 = tpu.memref_slice %arg7[%dma_wait3A_464, %dma_wait3A_480, %dma_wait3A_481] : memref<8x16x768xf32, #tpu.memory_space<vmem>> -> memref<1x8x768xf32, #tpu.memory_space<vmem>>
    %dma_wait3A_483 = tpu.memref_squeeze %dma_wait3A_482 : memref<1x8x768xf32, #tpu.memory_space<vmem>> -> memref<8x768xf32, #tpu.memory_space<vmem>>
    tpu.wait_dma2 semaphore(%dma_wait3A_475 : memref<!tpu.dma_semaphore, #tpu.memory_space<semaphore_mem>>) src(%dma_wait3A_483 : memref<8x768xf32, #tpu.memory_space<vmem>>) dst(%dma_wait3A_479 : memref<8x768xf32, #tpu.memory_space<hbm>>)
    %dma_wait3A_484 = arith.constant 3 : i32
    %dma_wait3A_485 = arith.constant 3 : i32
    %dma_wait3A_486 = arith.constant 8 : i32
    %dma_wait3A_487 = arith.constant 0 : i32
    %dma_wait3A_488 = tpu.memref_slice %arg7[%dma_wait3A_484, %dma_wait3A_486, %dma_wait3A_487] : memref<8x16x768xf32, #tpu.memory_space<vmem>> -> memref<1x8x768xf32, #tpu.memory_space<vmem>>
    %dma_wait3A_489 = tpu.memref_squeeze %dma_wait3A_488 : memref<1x8x768xf32, #tpu.memory_space<vmem>> -> memref<8x768xf32, #tpu.memory_space<vmem>>
    %dma_wait3A_490 = tpu.memref_reshape %arg5 : memref<8192x4x768xf32, #tpu.memory_space<hbm>> -> memref<32768x768xf32, #tpu.memory_space<hbm>>
    %dma_wait3A_491 = arith.constant 0 : i32
    %dma_wait3A_492 = arith.constant 0 : i32
    %dma_wait3A_493 = tpu.memref_slice %dma_wait3A_490[%dma_wait3A_491, %dma_wait3A_492] : memref<32768x768xf32, #tpu.memory_space<hbm>> -> memref<8x768xf32, #tpu.memory_space<hbm>>
    %dma_wait3A_494 = tpu.memref_slice %arg11[%dma_wait3A_485] : memref<8x!tpu.dma_semaphore, #tpu.memory_space<semaphore_mem>> -> memref<1x!tpu.dma_semaphore, #tpu.memory_space<semaphore_mem>>
    %dma_wait3A_495 = tpu.memref_squeeze %dma_wait3A_494 : memref<1x!tpu.dma_semaphore, #tpu.memory_space<semaphore_mem>> -> memref<!tpu.dma_semaphore, #tpu.memory_space<semaphore_mem>>
    %dma_wait3A_496 = tpu.memref_reshape %arg5 : memref<8192x4x768xf32, #tpu.memory_space<hbm>> -> memref<32768x768xf32, #tpu.memory_space<hbm>>
    %dma_wait3A_497 = arith.constant 0 : i32
    %dma_wait3A_498 = arith.constant 0 : i32
    %dma_wait3A_499 = tpu.memref_slice %dma_wait3A_496[%dma_wait3A_497, %dma_wait3A_498] : memref<32768x768xf32, #tpu.memory_space<hbm>> -> memref<8x768xf32, #tpu.memory_space<hbm>>
    %dma_wait3A_500 = arith.constant 8 : i32
    %dma_wait3A_501 = arith.constant 0 : i32
    %dma_wait3A_502 = tpu.memref_slice %arg7[%dma_wait3A_484, %dma_wait3A_500, %dma_wait3A_501] : memref<8x16x768xf32, #tpu.memory_space<vmem>> -> memref<1x8x768xf32, #tpu.memory_space<vmem>>
    %dma_wait3A_503 = tpu.memref_squeeze %dma_wait3A_502 : memref<1x8x768xf32, #tpu.memory_space<vmem>> -> memref<8x768xf32, #tpu.memory_space<vmem>>
    tpu.wait_dma2 semaphore(%dma_wait3A_495 : memref<!tpu.dma_semaphore, #tpu.memory_space<semaphore_mem>>) src(%dma_wait3A_503 : memref<8x768xf32, #tpu.memory_space<vmem>>) dst(%dma_wait3A_499 : memref<8x768xf32, #tpu.memory_space<hbm>>)
    %dma_wait3A_504 = arith.constant 4 : i32
    %dma_wait3A_505 = arith.constant 4 : i32
    %dma_wait3A_506 = arith.constant 0 : i32
    %dma_wait3A_507 = arith.constant 0 : i32
    %dma_wait3A_508 = tpu.memref_slice %arg7[%dma_wait3A_504, %dma_wait3A_506, %dma_wait3A_507] : memref<8x16x768xf32, #tpu.memory_space<vmem>> -> memref<1x8x768xf32, #tpu.memory_space<vmem>>
    %dma_wait3A_509 = tpu.memref_squeeze %dma_wait3A_508 : memref<1x8x768xf32, #tpu.memory_space<vmem>> -> memref<8x768xf32, #tpu.memory_space<vmem>>
    %dma_wait3A_510 = tpu.memref_reshape %arg5 : memref<8192x4x768xf32, #tpu.memory_space<hbm>> -> memref<32768x768xf32, #tpu.memory_space<hbm>>
    %dma_wait3A_511 = arith.constant 0 : i32
    %dma_wait3A_512 = arith.constant 0 : i32
    %dma_wait3A_513 = tpu.memref_slice %dma_wait3A_510[%dma_wait3A_511, %dma_wait3A_512] : memref<32768x768xf32, #tpu.memory_space<hbm>> -> memref<8x768xf32, #tpu.memory_space<hbm>>
    %dma_wait3A_514 = tpu.memref_slice %arg11[%dma_wait3A_505] : memref<8x!tpu.dma_semaphore, #tpu.memory_space<semaphore_mem>> -> memref<1x!tpu.dma_semaphore, #tpu.memory_space<semaphore_mem>>
    %dma_wait3A_515 = tpu.memref_squeeze %dma_wait3A_514 : memref<1x!tpu.dma_semaphore, #tpu.memory_space<semaphore_mem>> -> memref<!tpu.dma_semaphore, #tpu.memory_space<semaphore_mem>>
    %dma_wait3A_516 = tpu.memref_reshape %arg5 : memref<8192x4x768xf32, #tpu.memory_space<hbm>> -> memref<32768x768xf32, #tpu.memory_space<hbm>>
    %dma_wait3A_517 = arith.constant 0 : i32
    %dma_wait3A_518 = arith.constant 0 : i32
    %dma_wait3A_519 = tpu.memref_slice %dma_wait3A_516[%dma_wait3A_517, %dma_wait3A_518] : memref<32768x768xf32, #tpu.memory_space<hbm>> -> memref<8x768xf32, #tpu.memory_space<hbm>>
    %dma_wait3A_520 = arith.constant 0 : i32
    %dma_wait3A_521 = arith.constant 0 : i32
    %dma_wait3A_522 = tpu.memref_slice %arg7[%dma_wait3A_504, %dma_wait3A_520, %dma_wait3A_521] : memref<8x16x768xf32, #tpu.memory_space<vmem>> -> memref<1x8x768xf32, #tpu.memory_space<vmem>>
    %dma_wait3A_523 = tpu.memref_squeeze %dma_wait3A_522 : memref<1x8x768xf32, #tpu.memory_space<vmem>> -> memref<8x768xf32, #tpu.memory_space<vmem>>
    tpu.wait_dma2 semaphore(%dma_wait3A_515 : memref<!tpu.dma_semaphore, #tpu.memory_space<semaphore_mem>>) src(%dma_wait3A_523 : memref<8x768xf32, #tpu.memory_space<vmem>>) dst(%dma_wait3A_519 : memref<8x768xf32, #tpu.memory_space<hbm>>)
    %dma_wait3A_524 = arith.constant 4 : i32
    %dma_wait3A_525 = arith.constant 4 : i32
    %dma_wait3A_526 = arith.constant 8 : i32
    %dma_wait3A_527 = arith.constant 0 : i32
    %dma_wait3A_528 = tpu.memref_slice %arg7[%dma_wait3A_524, %dma_wait3A_526, %dma_wait3A_527] : memref<8x16x768xf32, #tpu.memory_space<vmem>> -> memref<1x8x768xf32, #tpu.memory_space<vmem>>
    %dma_wait3A_529 = tpu.memref_squeeze %dma_wait3A_528 : memref<1x8x768xf32, #tpu.memory_space<vmem>> -> memref<8x768xf32, #tpu.memory_space<vmem>>
    %dma_wait3A_530 = tpu.memref_reshape %arg5 : memref<8192x4x768xf32, #tpu.memory_space<hbm>> -> memref<32768x768xf32, #tpu.memory_space<hbm>>
    %dma_wait3A_531 = arith.constant 0 : i32
    %dma_wait3A_532 = arith.constant 0 : i32
    %dma_wait3A_533 = tpu.memref_slice %dma_wait3A_530[%dma_wait3A_531, %dma_wait3A_532] : memref<32768x768xf32, #tpu.memory_space<hbm>> -> memref<8x768xf32, #tpu.memory_space<hbm>>
    %dma_wait3A_534 = tpu.memref_slice %arg11[%dma_wait3A_525] : memref<8x!tpu.dma_semaphore, #tpu.memory_space<semaphore_mem>> -> memref<1x!tpu.dma_semaphore, #tpu.memory_space<semaphore_mem>>
    %dma_wait3A_535 = tpu.memref_squeeze %dma_wait3A_534 : memref<1x!tpu.dma_semaphore, #tpu.memory_space<semaphore_mem>> -> memref<!tpu.dma_semaphore, #tpu.memory_space<semaphore_mem>>
    %dma_wait3A_536 = tpu.memref_reshape %arg5 : memref<8192x4x768xf32, #tpu.memory_space<hbm>> -> memref<32768x768xf32, #tpu.memory_space<hbm>>
    %dma_wait3A_537 = arith.constant 0 : i32
    %dma_wait3A_538 = arith.constant 0 : i32
    %dma_wait3A_539 = tpu.memref_slice %dma_wait3A_536[%dma_wait3A_537, %dma_wait3A_538] : memref<32768x768xf32, #tpu.memory_space<hbm>> -> memref<8x768xf32, #tpu.memory_space<hbm>>
    %dma_wait3A_540 = arith.constant 8 : i32
    %dma_wait3A_541 = arith.constant 0 : i32
    %dma_wait3A_542 = tpu.memref_slice %arg7[%dma_wait3A_524, %dma_wait3A_540, %dma_wait3A_541] : memref<8x16x768xf32, #tpu.memory_space<vmem>> -> memref<1x8x768xf32, #tpu.memory_space<vmem>>
    %dma_wait3A_543 = tpu.memref_squeeze %dma_wait3A_542 : memref<1x8x768xf32, #tpu.memory_space<vmem>> -> memref<8x768xf32, #tpu.memory_space<vmem>>
    tpu.wait_dma2 semaphore(%dma_wait3A_535 : memref<!tpu.dma_semaphore, #tpu.memory_space<semaphore_mem>>) src(%dma_wait3A_543 : memref<8x768xf32, #tpu.memory_space<vmem>>) dst(%dma_wait3A_539 : memref<8x768xf32, #tpu.memory_space<hbm>>)
    %dma_wait3A_544 = arith.constant 5 : i32
    %dma_wait3A_545 = arith.constant 5 : i32
    %dma_wait3A_546 = arith.constant 0 : i32
    %dma_wait3A_547 = arith.constant 0 : i32
    %dma_wait3A_548 = tpu.memref_slice %arg7[%dma_wait3A_544, %dma_wait3A_546, %dma_wait3A_547] : memref<8x16x768xf32, #tpu.memory_space<vmem>> -> memref<1x8x768xf32, #tpu.memory_space<vmem>>
    %dma_wait3A_549 = tpu.memref_squeeze %dma_wait3A_548 : memref<1x8x768xf32, #tpu.memory_space<vmem>> -> memref<8x768xf32, #tpu.memory_space<vmem>>
    %dma_wait3A_550 = tpu.memref_reshape %arg5 : memref<8192x4x768xf32, #tpu.memory_space<hbm>> -> memref<32768x768xf32, #tpu.memory_space<hbm>>
    %dma_wait3A_551 = arith.constant 0 : i32
    %dma_wait3A_552 = arith.constant 0 : i32
    %dma_wait3A_553 = tpu.memref_slice %dma_wait3A_550[%dma_wait3A_551, %dma_wait3A_552] : memref<32768x768xf32, #tpu.memory_space<hbm>> -> memref<8x768xf32, #tpu.memory_space<hbm>>
    %dma_wait3A_554 = tpu.memref_slice %arg11[%dma_wait3A_545] : memref<8x!tpu.dma_semaphore, #tpu.memory_space<semaphore_mem>> -> memref<1x!tpu.dma_semaphore, #tpu.memory_space<semaphore_mem>>
    %dma_wait3A_555 = tpu.memref_squeeze %dma_wait3A_554 : memref<1x!tpu.dma_semaphore, #tpu.memory_space<semaphore_mem>> -> memref<!tpu.dma_semaphore, #tpu.memory_space<semaphore_mem>>
    %dma_wait3A_556 = tpu.memref_reshape %arg5 : memref<8192x4x768xf32, #tpu.memory_space<hbm>> -> memref<32768x768xf32, #tpu.memory_space<hbm>>
    %dma_wait3A_557 = arith.constant 0 : i32
    %dma_wait3A_558 = arith.constant 0 : i32
    %dma_wait3A_559 = tpu.memref_slice %dma_wait3A_556[%dma_wait3A_557, %dma_wait3A_558] : memref<32768x768xf32, #tpu.memory_space<hbm>> -> memref<8x768xf32, #tpu.memory_space<hbm>>
    %dma_wait3A_560 = arith.constant 0 : i32
    %dma_wait3A_561 = arith.constant 0 : i32
    %dma_wait3A_562 = tpu.memref_slice %arg7[%dma_wait3A_544, %dma_wait3A_560, %dma_wait3A_561] : memref<8x16x768xf32, #tpu.memory_space<vmem>> -> memref<1x8x768xf32, #tpu.memory_space<vmem>>
    %dma_wait3A_563 = tpu.memref_squeeze %dma_wait3A_562 : memref<1x8x768xf32, #tpu.memory_space<vmem>> -> memref<8x768xf32, #tpu.memory_space<vmem>>
    tpu.wait_dma2 semaphore(%dma_wait3A_555 : memref<!tpu.dma_semaphore, #tpu.memory_space<semaphore_mem>>) src(%dma_wait3A_563 : memref<8x768xf32, #tpu.memory_space<vmem>>) dst(%dma_wait3A_559 : memref<8x768xf32, #tpu.memory_space<hbm>>)
    %dma_wait3A_564 = arith.constant 5 : i32
    %dma_wait3A_565 = arith.constant 5 : i32
    %dma_wait3A_566 = arith.constant 8 : i32
    %dma_wait3A_567 = arith.constant 0 : i32
    %dma_wait3A_568 = tpu.memref_slice %arg7[%dma_wait3A_564, %dma_wait3A_566, %dma_wait3A_567] : memref<8x16x768xf32, #tpu.memory_space<vmem>> -> memref<1x8x768xf32, #tpu.memory_space<vmem>>
    %dma_wait3A_569 = tpu.memref_squeeze %dma_wait3A_568 : memref<1x8x768xf32, #tpu.memory_space<vmem>> -> memref<8x768xf32, #tpu.memory_space<vmem>>
    %dma_wait3A_570 = tpu.memref_reshape %arg5 : memref<8192x4x768xf32, #tpu.memory_space<hbm>> -> memref<32768x768xf32, #tpu.memory_space<hbm>>
    %dma_wait3A_571 = arith.constant 0 : i32
    %dma_wait3A_572 = arith.constant 0 : i32
    %dma_wait3A_573 = tpu.memref_slice %dma_wait3A_570[%dma_wait3A_571, %dma_wait3A_572] : memref<32768x768xf32, #tpu.memory_space<hbm>> -> memref<8x768xf32, #tpu.memory_space<hbm>>
    %dma_wait3A_574 = tpu.memref_slice %arg11[%dma_wait3A_565] : memref<8x!tpu.dma_semaphore, #tpu.memory_space<semaphore_mem>> -> memref<1x!tpu.dma_semaphore, #tpu.memory_space<semaphore_mem>>
    %dma_wait3A_575 = tpu.memref_squeeze %dma_wait3A_574 : memref<1x!tpu.dma_semaphore, #tpu.memory_space<semaphore_mem>> -> memref<!tpu.dma_semaphore, #tpu.memory_space<semaphore_mem>>
    %dma_wait3A_576 = tpu.memref_reshape %arg5 : memref<8192x4x768xf32, #tpu.memory_space<hbm>> -> memref<32768x768xf32, #tpu.memory_space<hbm>>
    %dma_wait3A_577 = arith.constant 0 : i32
    %dma_wait3A_578 = arith.constant 0 : i32
    %dma_wait3A_579 = tpu.memref_slice %dma_wait3A_576[%dma_wait3A_577, %dma_wait3A_578] : memref<32768x768xf32, #tpu.memory_space<hbm>> -> memref<8x768xf32, #tpu.memory_space<hbm>>
    %dma_wait3A_580 = arith.constant 8 : i32
    %dma_wait3A_581 = arith.constant 0 : i32
    %dma_wait3A_582 = tpu.memref_slice %arg7[%dma_wait3A_564, %dma_wait3A_580, %dma_wait3A_581] : memref<8x16x768xf32, #tpu.memory_space<vmem>> -> memref<1x8x768xf32, #tpu.memory_space<vmem>>
    %dma_wait3A_583 = tpu.memref_squeeze %dma_wait3A_582 : memref<1x8x768xf32, #tpu.memory_space<vmem>> -> memref<8x768xf32, #tpu.memory_space<vmem>>
    tpu.wait_dma2 semaphore(%dma_wait3A_575 : memref<!tpu.dma_semaphore, #tpu.memory_space<semaphore_mem>>) src(%dma_wait3A_583 : memref<8x768xf32, #tpu.memory_space<vmem>>) dst(%dma_wait3A_579 : memref<8x768xf32, #tpu.memory_space<hbm>>)
    %dma_wait3A_584 = arith.constant 6 : i32
    %dma_wait3A_585 = arith.constant 6 : i32
    %dma_wait3A_586 = arith.constant 0 : i32
    %dma_wait3A_587 = arith.constant 0 : i32
    %dma_wait3A_588 = tpu.memref_slice %arg7[%dma_wait3A_584, %dma_wait3A_586, %dma_wait3A_587] : memref<8x16x768xf32, #tpu.memory_space<vmem>> -> memref<1x8x768xf32, #tpu.memory_space<vmem>>
    %dma_wait3A_589 = tpu.memref_squeeze %dma_wait3A_588 : memref<1x8x768xf32, #tpu.memory_space<vmem>> -> memref<8x768xf32, #tpu.memory_space<vmem>>
    %dma_wait3A_590 = tpu.memref_reshape %arg5 : memref<8192x4x768xf32, #tpu.memory_space<hbm>> -> memref<32768x768xf32, #tpu.memory_space<hbm>>
    %dma_wait3A_591 = arith.constant 0 : i32
    %dma_wait3A_592 = arith.constant 0 : i32
    %dma_wait3A_593 = tpu.memref_slice %dma_wait3A_590[%dma_wait3A_591, %dma_wait3A_592] : memref<32768x768xf32, #tpu.memory_space<hbm>> -> memref<8x768xf32, #tpu.memory_space<hbm>>
    %dma_wait3A_594 = tpu.memref_slice %arg11[%dma_wait3A_585] : memref<8x!tpu.dma_semaphore, #tpu.memory_space<semaphore_mem>> -> memref<1x!tpu.dma_semaphore, #tpu.memory_space<semaphore_mem>>
    %dma_wait3A_595 = tpu.memref_squeeze %dma_wait3A_594 : memref<1x!tpu.dma_semaphore, #tpu.memory_space<semaphore_mem>> -> memref<!tpu.dma_semaphore, #tpu.memory_space<semaphore_mem>>
    %dma_wait3A_596 = tpu.memref_reshape %arg5 : memref<8192x4x768xf32, #tpu.memory_space<hbm>> -> memref<32768x768xf32, #tpu.memory_space<hbm>>
    %dma_wait3A_597 = arith.constant 0 : i32
    %dma_wait3A_598 = arith.constant 0 : i32
    %dma_wait3A_599 = tpu.memref_slice %dma_wait3A_596[%dma_wait3A_597, %dma_wait3A_598] : memref<32768x768xf32, #tpu.memory_space<hbm>> -> memref<8x768xf32, #tpu.memory_space<hbm>>
    %dma_wait3A_600 = arith.constant 0 : i32
    %dma_wait3A_601 = arith.constant 0 : i32
    %dma_wait3A_602 = tpu.memref_slice %arg7[%dma_wait3A_584, %dma_wait3A_600, %dma_wait3A_601] : memref<8x16x768xf32, #tpu.memory_space<vmem>> -> memref<1x8x768xf32, #tpu.memory_space<vmem>>
    %dma_wait3A_603 = tpu.memref_squeeze %dma_wait3A_602 : memref<1x8x768xf32, #tpu.memory_space<vmem>> -> memref<8x768xf32, #tpu.memory_space<vmem>>
    tpu.wait_dma2 semaphore(%dma_wait3A_595 : memref<!tpu.dma_semaphore, #tpu.memory_space<semaphore_mem>>) src(%dma_wait3A_603 : memref<8x768xf32, #tpu.memory_space<vmem>>) dst(%dma_wait3A_599 : memref<8x768xf32, #tpu.memory_space<hbm>>)
    %dma_wait3A_604 = arith.constant 6 : i32
    %dma_wait3A_605 = arith.constant 6 : i32
    %dma_wait3A_606 = arith.constant 8 : i32
    %dma_wait3A_607 = arith.constant 0 : i32
    %dma_wait3A_608 = tpu.memref_slice %arg7[%dma_wait3A_604, %dma_wait3A_606, %dma_wait3A_607] : memref<8x16x768xf32, #tpu.memory_space<vmem>> -> memref<1x8x768xf32, #tpu.memory_space<vmem>>
    %dma_wait3A_609 = tpu.memref_squeeze %dma_wait3A_608 : memref<1x8x768xf32, #tpu.memory_space<vmem>> -> memref<8x768xf32, #tpu.memory_space<vmem>>
    %dma_wait3A_610 = tpu.memref_reshape %arg5 : memref<8192x4x768xf32, #tpu.memory_space<hbm>> -> memref<32768x768xf32, #tpu.memory_space<hbm>>
    %dma_wait3A_611 = arith.constant 0 : i32
    %dma_wait3A_612 = arith.constant 0 : i32
    %dma_wait3A_613 = tpu.memref_slice %dma_wait3A_610[%dma_wait3A_611, %dma_wait3A_612] : memref<32768x768xf32, #tpu.memory_space<hbm>> -> memref<8x768xf32, #tpu.memory_space<hbm>>
    %dma_wait3A_614 = tpu.memref_slice %arg11[%dma_wait3A_605] : memref<8x!tpu.dma_semaphore, #tpu.memory_space<semaphore_mem>> -> memref<1x!tpu.dma_semaphore, #tpu.memory_space<semaphore_mem>>
    %dma_wait3A_615 = tpu.memref_squeeze %dma_wait3A_614 : memref<1x!tpu.dma_semaphore, #tpu.memory_space<semaphore_mem>> -> memref<!tpu.dma_semaphore, #tpu.memory_space<semaphore_mem>>
    %dma_wait3A_616 = tpu.memref_reshape %arg5 : memref<8192x4x768xf32, #tpu.memory_space<hbm>> -> memref<32768x768xf32, #tpu.memory_space<hbm>>
    %dma_wait3A_617 = arith.constant 0 : i32
    %dma_wait3A_618 = arith.constant 0 : i32
    %dma_wait3A_619 = tpu.memref_slice %dma_wait3A_616[%dma_wait3A_617, %dma_wait3A_618] : memref<32768x768xf32, #tpu.memory_space<hbm>> -> memref<8x768xf32, #tpu.memory_space<hbm>>
    %dma_wait3A_620 = arith.constant 8 : i32
    %dma_wait3A_621 = arith.constant 0 : i32
    %dma_wait3A_622 = tpu.memref_slice %arg7[%dma_wait3A_604, %dma_wait3A_620, %dma_wait3A_621] : memref<8x16x768xf32, #tpu.memory_space<vmem>> -> memref<1x8x768xf32, #tpu.memory_space<vmem>>
    %dma_wait3A_623 = tpu.memref_squeeze %dma_wait3A_622 : memref<1x8x768xf32, #tpu.memory_space<vmem>> -> memref<8x768xf32, #tpu.memory_space<vmem>>
    tpu.wait_dma2 semaphore(%dma_wait3A_615 : memref<!tpu.dma_semaphore, #tpu.memory_space<semaphore_mem>>) src(%dma_wait3A_623 : memref<8x768xf32, #tpu.memory_space<vmem>>) dst(%dma_wait3A_619 : memref<8x768xf32, #tpu.memory_space<hbm>>)
    %dma_wait3A_624 = arith.constant 7 : i32
    %dma_wait3A_625 = arith.constant 7 : i32
    %dma_wait3A_626 = arith.constant 0 : i32
    %dma_wait3A_627 = arith.constant 0 : i32
    %dma_wait3A_628 = tpu.memref_slice %arg7[%dma_wait3A_624, %dma_wait3A_626, %dma_wait3A_627] : memref<8x16x768xf32, #tpu.memory_space<vmem>> -> memref<1x8x768xf32, #tpu.memory_space<vmem>>
    %dma_wait3A_629 = tpu.memref_squeeze %dma_wait3A_628 : memref<1x8x768xf32, #tpu.memory_space<vmem>> -> memref<8x768xf32, #tpu.memory_space<vmem>>
    %dma_wait3A_630 = tpu.memref_reshape %arg5 : memref<8192x4x768xf32, #tpu.memory_space<hbm>> -> memref<32768x768xf32, #tpu.memory_space<hbm>>
    %dma_wait3A_631 = arith.constant 0 : i32
    %dma_wait3A_632 = arith.constant 0 : i32
    %dma_wait3A_633 = tpu.memref_slice %dma_wait3A_630[%dma_wait3A_631, %dma_wait3A_632] : memref<32768x768xf32, #tpu.memory_space<hbm>> -> memref<8x768xf32, #tpu.memory_space<hbm>>
    %dma_wait3A_634 = tpu.memref_slice %arg11[%dma_wait3A_625] : memref<8x!tpu.dma_semaphore, #tpu.memory_space<semaphore_mem>> -> memref<1x!tpu.dma_semaphore, #tpu.memory_space<semaphore_mem>>
    %dma_wait3A_635 = tpu.memref_squeeze %dma_wait3A_634 : memref<1x!tpu.dma_semaphore, #tpu.memory_space<semaphore_mem>> -> memref<!tpu.dma_semaphore, #tpu.memory_space<semaphore_mem>>
    %dma_wait3A_636 = tpu.memref_reshape %arg5 : memref<8192x4x768xf32, #tpu.memory_space<hbm>> -> memref<32768x768xf32, #tpu.memory_space<hbm>>
    %dma_wait3A_637 = arith.constant 0 : i32
    %dma_wait3A_638 = arith.constant 0 : i32
    %dma_wait3A_639 = tpu.memref_slice %dma_wait3A_636[%dma_wait3A_637, %dma_wait3A_638] : memref<32768x768xf32, #tpu.memory_space<hbm>> -> memref<8x768xf32, #tpu.memory_space<hbm>>
    %dma_wait3A_640 = arith.constant 0 : i32
    %dma_wait3A_641 = arith.constant 0 : i32
    %dma_wait3A_642 = tpu.memref_slice %arg7[%dma_wait3A_624, %dma_wait3A_640, %dma_wait3A_641] : memref<8x16x768xf32, #tpu.memory_space<vmem>> -> memref<1x8x768xf32, #tpu.memory_space<vmem>>
    %dma_wait3A_643 = tpu.memref_squeeze %dma_wait3A_642 : memref<1x8x768xf32, #tpu.memory_space<vmem>> -> memref<8x768xf32, #tpu.memory_space<vmem>>
    tpu.wait_dma2 semaphore(%dma_wait3A_635 : memref<!tpu.dma_semaphore, #tpu.memory_space<semaphore_mem>>) src(%dma_wait3A_643 : memref<8x768xf32, #tpu.memory_space<vmem>>) dst(%dma_wait3A_639 : memref<8x768xf32, #tpu.memory_space<hbm>>)
    %dma_wait3A_644 = arith.constant 7 : i32
    %dma_wait3A_645 = arith.constant 7 : i32
    %dma_wait3A_646 = arith.constant 8 : i32
    %dma_wait3A_647 = arith.constant 0 : i32
    %dma_wait3A_648 = tpu.memref_slice %arg7[%dma_wait3A_644, %dma_wait3A_646, %dma_wait3A_647] : memref<8x16x768xf32, #tpu.memory_space<vmem>> -> memref<1x8x768xf32, #tpu.memory_space<vmem>>
    %dma_wait3A_649 = tpu.memref_squeeze %dma_wait3A_648 : memref<1x8x768xf32, #tpu.memory_space<vmem>> -> memref<8x768xf32, #tpu.memory_space<vmem>>
    %dma_wait3A_650 = tpu.memref_reshape %arg5 : memref<8192x4x768xf32, #tpu.memory_space<hbm>> -> memref<32768x768xf32, #tpu.memory_space<hbm>>
    %dma_wait3A_651 = arith.constant 0 : i32
    %dma_wait3A_652 = arith.constant 0 : i32
    %dma_wait3A_653 = tpu.memref_slice %dma_wait3A_650[%dma_wait3A_651, %dma_wait3A_652] : memref<32768x768xf32, #tpu.memory_space<hbm>> -> memref<8x768xf32, #tpu.memory_space<hbm>>
    %dma_wait3A_654 = tpu.memref_slice %arg11[%dma_wait3A_645] : memref<8x!tpu.dma_semaphore, #tpu.memory_space<semaphore_mem>> -> memref<1x!tpu.dma_semaphore, #tpu.memory_space<semaphore_mem>>
    %dma_wait3A_655 = tpu.memref_squeeze %dma_wait3A_654 : memref<1x!tpu.dma_semaphore, #tpu.memory_space<semaphore_mem>> -> memref<!tpu.dma_semaphore, #tpu.memory_space<semaphore_mem>>
    %dma_wait3A_656 = tpu.memref_reshape %arg5 : memref<8192x4x768xf32, #tpu.memory_space<hbm>> -> memref<32768x768xf32, #tpu.memory_space<hbm>>
    %dma_wait3A_657 = arith.constant 0 : i32
    %dma_wait3A_658 = arith.constant 0 : i32
    %dma_wait3A_659 = tpu.memref_slice %dma_wait3A_656[%dma_wait3A_657, %dma_wait3A_658] : memref<32768x768xf32, #tpu.memory_space<hbm>> -> memref<8x768xf32, #tpu.memory_space<hbm>>
    %dma_wait3A_660 = arith.constant 8 : i32
    %dma_wait3A_661 = arith.constant 0 : i32
    %dma_wait3A_662 = tpu.memref_slice %arg7[%dma_wait3A_644, %dma_wait3A_660, %dma_wait3A_661] : memref<8x16x768xf32, #tpu.memory_space<vmem>> -> memref<1x8x768xf32, #tpu.memory_space<vmem>>
    %dma_wait3A_663 = tpu.memref_squeeze %dma_wait3A_662 : memref<1x8x768xf32, #tpu.memory_space<vmem>> -> memref<8x768xf32, #tpu.memory_space<vmem>>
    tpu.wait_dma2 semaphore(%dma_wait3A_655 : memref<!tpu.dma_semaphore, #tpu.memory_space<semaphore_mem>>) src(%dma_wait3A_663 : memref<8x768xf32, #tpu.memory_space<vmem>>) dst(%dma_wait3A_659 : memref<8x768xf32, #tpu.memory_space<hbm>>)
    return
  }
}

</mosaic_0001>

<sc_bundles>
// kernel: kernel.3.cloned.1.call-start
scs
__scs_entry_jumppad:
0x0: {  	(pc) =	sbr.rel $0x88, $3  }
0x1: {  	(tag) =	ssettag $0x0;
	lr =	simm.s32 $0x1  }
0x2: {  	[smem:$0x3F9E] =	sst lr;
	_ =	strace $0xD0000000  }
0x3: {  	_ = 	snop  }
0x4: {  	_ = 	snop  }
0x5: {  	_ = 	snop  }
0x6: {  	_ = 	snop  }
0x7: {  	_ = 	snop  }
__scs_overlays_trampoline_lowered:
0x8: {  	[smem:$0x3FAD] =	sst s0  }
0x9: {  	[smem:$0x3FAE] =	sst s1  }
0xa: {  	[smem:$0x3FAF] =	sst s2  }
0xb: {  	[smem:$0x3FB0] =	sst s3  }
0xc: {  	[smem:$0x3FB1] =	sst s4  }
0xd: {  	[smem:$0x3FB2] =	sst s5  }
0xe: {  	[smem:$0x3FB3] =	sst s6  }
0xf: {  	[smem:$0x3FB4] =	sst s7  }
0x10: {  	[smem:$0x3FB5] =	sst s8  }
0x11: {  	[smem:$0x3FB6] =	sst s9;
	s0 =	simm.s32 @!p0 $0x0  }
0x12: {  	s1 =	sld [smem:$0x3F9C];
	s0 =	simm.s32 @p0 $0x1  }
0x13: {  	[smem:$0x3FB7] =	sst s0;
	s0 =	simm.s32 @!p1 $0x0  }
0x14: {  	s2 =	sld [smem:$0x3F9B];
	s0 =	simm.s32 @p1 $0x1  }
0x15: {  	[smem:$0x3FB8] =	sst s0;
	s0 =	simm.s32 @!p2 $0x0  }
0x16: {  	s3 =	sld [smem:$0x3FDB];
	s0 =	simm.s32 @p2 $0x1  }
0x17: {  	s4 =	simm.s32 $0x1BF5;
	[smem:$0x3FBA] =	sst s0  }
0x18: {  	s0 =	sld [smem:$0x3F9D];
	_ =	swait.ge [sflag:s4], $0x0  }
0x19: {  	s7 =	sld [smem:$0x3F9E]  }
0x1a: {  	s8 =	sadd.s32 $0xFFFFE003, lr  }
0x1b: {  	s9 =	sadd.s32 $0xFFFFFEF7, lr;
	s5 =	simm.s32 $0xFFFFFFFF;
	p2 =	slt.u32 s8, $0xFFFFF086  }
0x1c: {  	p1 =	slt.u32 s9, $0xF7A;
	s5 =	simm.s32 @!p2 $0x0  }
0x1d: {  	s5 =	simm.s32 @p1 $0x1;
	p0 =	seq.s32 s7, s2  }
0x1e: {  	s7 =	smul.u32 @!p0 $0xF7A, s2;
	p2 =	seq.s32 @!p0 s5, $0x0  }
0x1f: {  	s9 =	smul.u32 $0xF7A, s1;
	s8 =	simm.s32 @!p0 $0x1BF5;
	p2 =	por !p2, p0  }
0x20: {  	[sflag:s8] =	ssyncset.s32 @!p0 $0xFFFFF086;
	s6 =	sadd.s32 @!p0 s3, s7;
	s7 =	simm.s32 @!p0 $0x108  }
0x21: {  	s3 =	sadd.s32 s3, s9;
	s6 =	sadd.s32 @!p0 $0x88, s6;
	s7 =	simm.s32 @p2 $0x1082  }
0x22: {  	[simem:s7], [sflag:s8] =	dma.local @!p0 [hbm:s6], $0xF7A  }
0x23: {  	s9 =	sor.u32 $0xD0000000, s2;
	s6 =	simm.s32 $0x108;
	_ =	swait.ge @!p0 [sflag:s8], $0x0  }
0x24: {  	s3 =	sadd.s32 $0x88, s3;
	s6 =	simm.s32 @!p1 $0x1082;
	[sflag:s4] =	ssyncset.s32 $0xFFFFF086  }
0x25: {  	[simem:s6], [sflag:s4] =	dma.local [hbm:s3], $0xF7A  }
0x26: {  	[smem:$0x3F9E] =	sst s1;
	(tag) =	ssettag s2;
	_ =	strace s9  }
0x27: {  	s1 =	sld [smem:$0x3FAE]  }
0x28: {  	s2 =	sld [smem:$0x3FAF]  }
0x29: {  	s4 =	sld [smem:$0x3FB1]  }
0x2a: {  	p0 =	seq.s32 s5, $0x0;
	s5 =	sld [smem:$0x3FB2]  }
0x2b: {  	s6 =	sld [smem:$0x3FB3]  }
0x2c: {  	s7 =	sld [smem:$0x3FB4]  }
0x2d: {  	s3 =	simm.s32 $0x108;
	s8 =	sld [smem:$0x3FB5]  }
0x2e: {  	s3 =	simm.s32 @!p0 $0x1082;
	s9 =	sld [smem:$0x3FB6]  }
0x2f: {  	lr =	sadd.s32 s0, s3;
	s0 =	sld [smem:$0x3FAD]  }
0x30: {  	s3 =	sld [smem:$0x3FB0]  }
0x31: {  	[smem:$0x3FB9] =	sst s10  }
0x32: {  	s10 =	sld [smem:$0x3FB7];
	_ =	sdelay $0x3  }
0x33: {  	p0 =	seq.s32 s10, $0x1;
	s10 =	sld [smem:$0x3FB9];
	_ =	sdelay $0x3  }
0x34: {  	[smem:$0x3FB9] =	sst s10  }
0x35: {  	s10 =	sld [smem:$0x3FB8];
	_ =	sdelay $0x3  }
0x36: {  	p1 =	seq.s32 s10, $0x1;
	s10 =	sld [smem:$0x3FB9];
	_ =	sdelay $0x3  }
0x37: {  	[smem:$0x3FB9] =	sst s10  }
0x38: {  	s10 =	sld [smem:$0x3FBA]  }
0x39: {  	_ = 	snop;
	(pc) =	sbr.ind lr, $3  }
0x3a: {  	_ = 	snop  }
0x3b: {  	_ = 	snop  }
0x3c: {  	p2 =	seq.s32 s10, $0x1;
	s10 =	sld [smem:$0x3FB9]  }
0x3d: {  	_ =	shalt  }
0x3e: {  	_ =	shalt  }
0x3f: {  	_ =	shalt  }
0x40: {  	_ =	shalt  }
0x41: {  	_ =	shalt  }
0x42: {  	_ =	shalt  }
0x43: {  	_ =	shalt  }
0x44: {  	_ =	shalt  }
0x45: {  	_ =	shalt  }
0x46: {  	_ =	shalt  }
0x47: {  	_ =	shalt  }
0x48: {  	_ =	shalt  }
0x49: {  	_ =	shalt  }
0x4a: {  	_ =	shalt  }
0x4b: {  	_ =	shalt  }
0x4c: {  	_ =	shalt  }
0x4d: {  	_ =	shalt  }
0x4e: {  	_ =	shalt  }
0x4f: {  	_ =	shalt  }
0x50: {  	_ =	shalt  }
0x51: {  	_ =	shalt  }
0x52: {  	_ =	shalt  }
0x53: {  	_ =	shalt  }
0x54: {  	_ =	shalt  }
0x55: {  	_ =	shalt  }
0x56: {  	_ =	shalt  }
0x57: {  	_ =	shalt  }
0x58: {  	_ =	shalt  }
0x59: {  	_ =	shalt  }
0x5a: {  	_ =	shalt  }
0x5b: {  	_ =	shalt  }
0x5c: {  	_ =	shalt  }
0x5d: {  	_ =	shalt  }
0x5e: {  	_ =	shalt  }
0x5f: {  	_ =	shalt  }
0x60: {  	_ =	shalt  }
0x61: {  	_ =	shalt  }
0x62: {  	_ =	shalt  }
0x63: {  	_ =	shalt  }
0x64: {  	_ =	shalt  }
0x65: {  	_ =	shalt  }
0x66: {  	_ =	shalt  }
0x67: {  	_ =	shalt  }
0x68: {  	_ =	shalt  }
0x69: {  	_ =	shalt  }
0x6a: {  	_ =	shalt  }
0x6b: {  	_ =	shalt  }
0x6c: {  	_ =	shalt  }
0x6d: {  	_ =	shalt  }
0x6e: {  	_ =	shalt  }
0x6f: {  	_ =	shalt  }
0x70: {  	_ =	shalt  }
0x71: {  	_ =	shalt  }
0x72: {  	_ =	shalt  }
0x73: {  	_ =	shalt  }
0x74: {  	_ =	shalt  }
0x75: {  	_ =	shalt  }
0x76: {  	_ =	shalt  }
0x77: {  	_ =	shalt  }
0x78: {  	_ =	shalt  }
0x79: {  	_ =	shalt  }
0x7a: {  	_ =	shalt  }
0x7b: {  	_ =	shalt  }
0x7c: {  	_ =	shalt  }
0x7d: {  	_ =	shalt  }
0x7e: {  	_ =	shalt  }
0x7f: {  	_ =	shalt  }
0x80: {  	_ =	shalt  }
0x81: {  	_ =	shalt  }
0x82: {  	_ =	shalt  }
0x83: {  	_ =	shalt  }
0x84: {  	_ =	shalt  }
0x85: {  	_ =	shalt  }
0x86: {  	_ =	shalt  }
0x87: {  	_ =	shalt  }
.Lfunc_end0:
.L_simem_size_0:
called_computation_lowered:
.L_overlay_start_0:
0x88: {  	s2 =	sld [smem:$0x3FD9]  }
0x89: {  	s3 =	sld [smem:$0x3FFE];
	_ =	sdelay $0x1  }
0x8a: {  	s1 =	srdreg.scid  }
0x8b: {  	s0 =	sand.u32 $0x1, s1  }
0x8c: {  	s17 =	sshll.u32 s0, $0xA;
	s2 =	sadd.s32 s3, s2  }
0x8d: {  	s2 =	sadd.s32 s2, s17  }
0x8e: {  	[smem:$0x3FC5] =	sst s2  }
0x8f: {  	_ = 	snop  }
0x90: {  	s2 =	sld [smem:$0x3FC8]  }
0x91: {  	s18 =	sld [smem:$0x3FC7]  }
0x92: {  	s4 =	sld [smem:$0x3FD0];
	(tm) =	ssettm $0x1  }
0x93: {  	s5 =	sld [smem:$0x3FFB];
	_ =	sdelay $0x3  }
0x94: {  	_ =	strace s5  }
0x95: {  	s5 =	sld [smem:$0x3FFC];
	_ =	sdelay $0x3  }
0x96: {  	_ =	strace s5  }
0x97: {  	s5 =	sld [smem:$0x3FFD];
	_ =	sdelay $0x3  }
0x98: {  	_ =	strace s5  }
0x99: {  	_ =	strace $0x8FFFFFFF  }
0x9a: {  	s19 =	sld [smem:$0x3FDB];
	_ =	sdelay $0x1  }
0x9b: {  	s6 =	simm.s32 $_scs_section_size  }
0x9c: {  	s7 =	simm.s32 $_size__tile_overlayer_lowered;
	s8 =	simm.s32 $_tile_overlayer_lowered  }
0x9d: {  	s22 =	simm.s32 $0x1BFF;
	s21 =	sshll.u32 s8, $0x1;
	s5 =	sadd.s32 s6, s19  }
0x9e: {  	s9 =	simm.s32 $0x0;
	s20 =	sshll.u32 s7, $0x1;
	s7 =	sadd.s32 s21, s5  }
0x9f: {  	[timem:s9], [sflag:s22] =	dma.local [hbm:s7], s20  }
0xa0: {  	_ =	swait.ge [sflag:s22], s20  }
0xa1: {  	s6 =	ssub.s32 $0x0, s20;
	[sflag:s22] =	ssyncset.done $0x0  }
0xa2: {  	[sflag:s22] =	ssyncadd.s32 s6;
	_ =	sdelay $0x1  }
0xa3: {  	s23 =	simm.s32 $0x1B8B  }
0xa4: {  	_ =	swait.ge [sflag:s23], $0x1  }
0xa5: {  	[sflag:s23] =	ssyncset.done $0x0  }
0xa6: {  	s25 =	simm.s32 $0x1B8E;
	s24 =	sld [smem:$0x3FFE];
	[sflag:s23] =	ssyncadd.s32 $0xFFFFFFFF  }
0xa7: {  	s26 =	simm.s32 $execute0_lowered;
	[smem:$0x3FD2] =	sst s25  }
0xa8: {  	s7 =	sshll.u32 s26, $0x1;
	_ =	strace $0x80000046;
	[dreg:$0x1] =	wrdreg $0xFFFFFFFF  }
0xa9: {  	s28 =	simm.s32 $_size_execute0_lowered;
	s5 =	sadd.s32 s5, s7;
	[dreg:$0x0] =	wrdreg $0x0  }
0xaa: {  	s7 =	sshll.u32 s28, $0x1;
	[dreg:$0x2] =	wrdreg s5  }
0xab: {  	[dreg:$0x3] =	wrdreg s7  }
0xac: {  	[dreg:$0x4] =	wrdreg $0xC0  }
0xad: {  	_ =	task [dreg:s9], $0x5FFFF  }
0xae: {  	[dreg:$0x1] =	wrdreg $0xFFFFFFFF  }
0xaf: {  	[dreg:$0x0] =	wrdreg $0x60  }
0xb0: {  	[dreg:$0x2] =	wrdreg s24  }
0xb1: {  	[dreg:$0x3] =	wrdreg s2  }
0xb2: {  	[dreg:$0x4] =	wrdreg s18  }
0xb3: {  	[dreg:$0x5] =	wrdreg s4  }
0xb4: {  	[dreg:$0x6] =	wrdreg $0x9  }
0xb5: {  	_ =	task.clear_ibuf [dreg:s9], $0x7FFFF;
	_ =	strace $0x90000046  }
0xb6: {  	s29 =	simm.s32 $0x9;
	_ =	strace $0x80000048  }
0xb7: {  	_ =	swait.ge [sflag:s29], $0x1  }
0xb8: {  	[sflag:s29] =	ssyncadd.s32 $0xFFFFFFFF  }
0xb9: {  	_ =	strace $0x90000048  }
0xba: {  	_ =	sfence  }
0xbb: {  	s30 =	sld [smem:$0x0];
	_ =	sdelay $0x2  }
0xbc: {  	s31 =	sshll.u32 s1, $0xD;
	s1 =	sshrl.u32 s1, $0x2  }
0xbd: {  	s3 =	sand.u32 $0x4000, s31;
	s1 =	sadd.s32 s1, s30  }
0xbe: {  	s0 =	sor.u32 s3, s0;
	s1 =	sshll.u32 s1, $0x11  }
0xbf: {  	s0 =	sor.u32 s1, s0  }
0xc0: {  	s0 =	sadd.s32 $0x8F2B, s0  }
0xc1: {  	[sflag:s0] =	ssyncadd.remote.s32 $0x1  }
0xc2: {  	_ =	sfence.sel $0xFFFF  }
0xc3: {  	[dreg:$0x0] =	wrdreg $0xFFFFFFFF;
	(pc) =	sbr.abs _section_cstart, $3  }
0xc4: {  	[dreg:$0x1] =	wrdreg $0xFFFFFFFF  }
0xc5: {  	_ =	task.clear_ibuf [dreg:s9], $0x2FFFF;
	_ =	strace $0x9FFFFFFF  }
0xc6: {  	(tm) =	ssettm $0x7FFFFFFF  }
0xc7: {  	_ =	shalt  }
tec
execute0_lowered:
.L_overlay_start_1:
0x0: {  	(tag) =	ssettag $0x1  }
0x1: {  	s0 =	rddreg [dreg:$0x0]  }
0x2: {  	s1 =	rddreg [dreg:$0x1]  }
0x3: {  	s2 =	srdreg.scid;
	s6 =	stileid.u32  }
0x4: {  	s3 =	rddreg [dreg:$0x2];
	s2 =	sand.u32 $0x1, s2;
	s6 =	sshll.u32 s6, $0x1  }
0x5: {  	s4 =	rddreg [dreg:$0x3];
	s5 =	simm.s32 $0x0;
	s7 =	sor.u32 s2, s6  }
0x6: {  	s28 =	simm.s32 $0x400;
	[smem:$0x7FF] =	sst s5;
	s6 =	sshll.u32 s7, $0xA  }
0x7: {  	s2 =	ssub.s32 $0x2, s2;
	s11 =	smul.u32 $0x6000, s7;
	s0 =	sadd.s32 s6, s0  }
0x8: {  	_ =	strace $0x80000047;
	s8 =	sshrl.u32 s2, $0x1;
	s0 =	sadd.s32 $0x400, s0  }
0x9: {  	s2 =	ssub.s32 s2, s8;
	s22 =	sadd.s32 s3, s11;
	[dreg:$0x5] =	wrdreg s0  }
0xa: {  	s31 =	simm.s32 $0x13;
	s30 =	smax.u32 s2, $0x1;
	[dreg:$0x6] =	wrdreg s22  }
0xb: {  	s20 =	simm.s32 $0x16;
	s23 =	sadd.s32 $0x40, s22;
	[dreg:$0xd] =	wrdreg s30  }
0xc: {  	s21 =	simm.s32 $0x17;
	s24 =	sadd.s32 $0x300, s22;
	[dreg:$0x7] =	wrdreg s23  }
0xd: {  	s9 =	sadd.s32 $0x100, s1;
	s25 =	sadd.s32 $0x340, s22;
	[dreg:$0x8] =	wrdreg s24  }
0xe: {  	s10 =	sadd.s32 $0x200, s1;
	s26 =	sadd.s32 $0x600, s22;
	[dreg:$0x9] =	wrdreg s25  }
0xf: {  	s7 =	sshll.u32 s7, $0x8;
	s29 =	sadd.s32 $0x640, s22;
	[dreg:$0xa] =	wrdreg s26  }
0x10: {  	v0 =	vlaneseq.u32;
	s2 =	simm.s32 $0x15;
	s0 =	sadd.s32 $0x900, s22;
	[dreg:$0xb] =	wrdreg s29  }
0x11: {  	v1 =	vshrl.u32 v0, $0x3;
	s22 =	simm.s32 $0x18;
	[dreg:$0xc] =	wrdreg s0;
	s26 =	simm.s32 $0x200  }
0x12: {  	vm0 =	vmmov $0xffff;
	v0 =	vand.u32 $0x7, v0;
	v1 =	vmul.u32 $0x8, v1;
	s25 =	simm.s32 $0xC00;
	s0 =	simm.s32 $0x14;
	s23 =	simm.s32 $0x0  }
.LBB2_1:
0x13: {  	s8 =	rddreg [dreg:$0x5];
	s15 =	simm.s32 $0x19  }
0x14: {  	[tilespmem:s5], [sflag:$0x19] =	stream.linear.gather [hbm4b:s8+s5], $0x2000, $0x38;
	v63 =	vld [tilespmem:$0x0]  }
0x15: {  	_ =	swait.ge [sflag:s15], $0x2000  }
0x16: {  	[sflag:s15] =	ssyncset.done $0x0  }
0x17: {  	[sflag:s15] =	ssyncadd.s32 $0xFFFFE000  }
0x18: {  	v2 =	vld.msk [tilespmem:$0x0], $0xff;
	_ =	sdelay $0x4  }
0x19: {  	v3 =	vshrl.u32 v2, $0x3  }
0x1a: {  	v3 =	vmul.u32 $0x30, v3  }
0x1b: {  	v2 =	vand.u32 $0x7, v2  }
0x1c: {  	v2 =	vor.u32 v2, v3  }
0x1d: {  	v2 =	vperm.xlane v2, v0;
	_ =	sdelay $0x1  }
0x1e: {  	v2 =	vadd.s32 v1, v2;
	_ =	sdelay $0x3  }
0x1f: {  	s16 =	simm.s32 $0x2000  }
0x20: {  	[tilespmem:s16], [sflag:$0x1] =	stream.indirect_vreg.gather [hbm4b:s1+s5], $0x80, v2, vm0, $0xb8;
	v63 =	vld [tilespmem:$0x0]  }
0x21: {  	s17 =	simm.s32 $0x2800  }
0x22: {  	[tilespmem:s17], [sflag:$0x1] =	stream.indirect_vreg.gather [hbm4b:s9+s5], $0x80, v2, vm0, $0xb8;
	v63 =	vld [tilespmem:$0x0]  }
0x23: {  	s18 =	simm.s32 $0x3000  }
0x24: {  	[tilespmem:s18], [sflag:$0x1] =	stream.indirect_vreg.gather [hbm4b:s10+s5], $0x80, v2, vm0, $0xb8;
	v63 =	vld [tilespmem:$0x0]  }
0x25: {  	v2 =	vld.msk [tilespmem:$0x8], $0xff;
	_ =	sdelay $0x4  }
0x26: {  	v3 =	vshrl.u32 v2, $0x3  }
0x27: {  	v3 =	vmul.u32 $0x30, v3  }
0x28: {  	v2 =	vand.u32 $0x7, v2  }
0x29: {  	v2 =	vor.u32 v2, v3  }
0x2a: {  	v2 =	vperm.xlane v2, v0;
	_ =	sdelay $0x1  }
0x2b: {  	v2 =	vadd.s32 v1, v2;
	_ =	sdelay $0x3  }
0x2c: {  	s19 =	simm.s32 $0x3800  }
0x2d: {  	[tilespmem:s19], [sflag:$0x1] =	stream.indirect_vreg.gather [hbm4b:s1+s5], $0x80, v2, vm0, $0xb8;
	v63 =	vld [tilespmem:$0x0]  }
0x2e: {  	s24 =	simm.s32 $0x4000  }
0x2f: {  	[tilespmem:s24], [sflag:$0x1] =	stream.indirect_vreg.gather [hbm4b:s9+s5], $0x80, v2, vm0, $0xb8;
	v63 =	vld [tilespmem:$0x0]  }
0x30: {  	s29 =	simm.s32 $0x4800  }
0x31: {  	[tilespmem:s29], [sflag:$0x1] =	stream.indirect_vreg.gather [hbm4b:s10+s5], $0x80, v2, vm0, $0xb8;
	v63 =	vld [tilespmem:$0x0]  }
0x32: {  	s11 =	simm.s32 $0x1A000;
	s30 =	rddreg [dreg:$0x6]  }
0x33: {  	[tilespmem:s11], [sflag:$0x9] =	stream.strided.gather [hbm4b:s30+s26], $0xC00, s28, s26, $0x38;
	v63 =	vld [tilespmem:$0x0]  }
0x34: {  	v2 =	vld.msk [tilespmem:$0x80], $0xff;
	_ =	sdelay $0x4  }
0x35: {  	v3 =	vshrl.u32 v2, $0x3  }
0x36: {  	v3 =	vmul.u32 $0x30, v3  }
0x37: {  	v2 =	vand.u32 $0x7, v2  }
0x38: {  	v2 =	vor.u32 v2, v3  }
0x39: {  	v2 =	vperm.xlane v2, v0;
	_ =	sdelay $0x1  }
0x3a: {  	v2 =	vadd.s32 v1, v2;
	_ =	sdelay $0x3  }
0x3b: {  	s11 =	simm.s32 $0x5000  }
0x3c: {  	[tilespmem:s11], [sflag:$0x2] =	stream.indirect_vreg.gather [hbm4b:s1+s5], $0x80, v2, vm0, $0xb8;
	v63 =	vld [tilespmem:$0x0]  }
0x3d: {  	s12 =	simm.s32 $0x5800  }
0x3e: {  	[tilespmem:s12], [sflag:$0x2] =	stream.indirect_vreg.gather [hbm4b:s9+s5], $0x80, v2, vm0, $0xb8;
	v63 =	vld [tilespmem:$0x0]  }
0x3f: {  	s13 =	simm.s32 $0x6000  }
0x40: {  	[tilespmem:s13], [sflag:$0x2] =	stream.indirect_vreg.gather [hbm4b:s10+s5], $0x80, v2, vm0, $0xb8;
	v63 =	vld [tilespmem:$0x0]  }
0x41: {  	v2 =	vld.msk [tilespmem:$0x88], $0xff;
	_ =	sdelay $0x4  }
0x42: {  	v3 =	vshrl.u32 v2, $0x3  }
0x43: {  	v3 =	vmul.u32 $0x30, v3  }
0x44: {  	v2 =	vand.u32 $0x7, v2  }
0x45: {  	v2 =	vor.u32 v2, v3  }
0x46: {  	v2 =	vperm.xlane v2, v0;
	_ =	sdelay $0x1  }
0x47: {  	v2 =	vadd.s32 v1, v2;
	_ =	sdelay $0x3  }
0x48: {  	s14 =	simm.s32 $0x6800  }
0x49: {  	[tilespmem:s14], [sflag:$0x2] =	stream.indirect_vreg.gather [hbm4b:s1+s5], $0x80, v2, vm0, $0xb8;
	v63 =	vld [tilespmem:$0x0]  }
0x4a: {  	s15 =	simm.s32 $0x7000  }
0x4b: {  	[tilespmem:s15], [sflag:$0x2] =	stream.indirect_vreg.gather [hbm4b:s9+s5], $0x80, v2, vm0, $0xb8;
	v63 =	vld [tilespmem:$0x0]  }
0x4c: {  	s16 =	simm.s32 $0x7800  }
0x4d: {  	[tilespmem:s16], [sflag:$0x2] =	stream.indirect_vreg.gather [hbm4b:s10+s5], $0x80, v2, vm0, $0xb8;
	v63 =	vld [tilespmem:$0x0]  }
0x4e: {  	s17 =	rddreg [dreg:$0x7];
	s18 =	simm.s32 $0x1AC00  }
0x4f: {  	[tilespmem:s18], [sflag:$0xA] =	stream.strided.gather [hbm4b:s17+s26], $0xC00, s28, s26, $0x38;
	v63 =	vld [tilespmem:$0x0]  }
0x50: {  	v2 =	vld.msk [tilespmem:$0x100], $0xff;
	_ =	sdelay $0x4  }
0x51: {  	v3 =	vshrl.u32 v2, $0x3  }
0x52: {  	v3 =	vmul.u32 $0x30, v3  }
0x53: {  	v2 =	vand.u32 $0x7, v2  }
0x54: {  	v2 =	vor.u32 v2, v3  }
0x55: {  	v2 =	vperm.xlane v2, v0;
	_ =	sdelay $0x1  }
0x56: {  	v2 =	vadd.s32 v1, v2;
	_ =	sdelay $0x3  }
0x57: {  	s19 =	simm.s32 $0x8000  }
0x58: {  	[tilespmem:s19], [sflag:$0x3] =	stream.indirect_vreg.gather [hbm4b:s1+s5], $0x80, v2, vm0, $0xb8;
	v63 =	vld [tilespmem:$0x0]  }
0x59: {  	s24 =	simm.s32 $0x8800  }
0x5a: {  	[tilespmem:s24], [sflag:$0x3] =	stream.indirect_vreg.gather [hbm4b:s9+s5], $0x80, v2, vm0, $0xb8;
	v63 =	vld [tilespmem:$0x0]  }
0x5b: {  	s29 =	simm.s32 $0x9000  }
0x5c: {  	[tilespmem:s29], [sflag:$0x3] =	stream.indirect_vreg.gather [hbm4b:s10+s5], $0x80, v2, vm0, $0xb8;
	v63 =	vld [tilespmem:$0x0]  }
0x5d: {  	v2 =	vld.msk [tilespmem:$0x108], $0xff;
	_ =	sdelay $0x4  }
0x5e: {  	v3 =	vshrl.u32 v2, $0x3  }
0x5f: {  	v3 =	vmul.u32 $0x30, v3  }
0x60: {  	v2 =	vand.u32 $0x7, v2  }
0x61: {  	v2 =	vor.u32 v2, v3  }
0x62: {  	v2 =	vperm.xlane v2, v0;
	_ =	sdelay $0x1  }
0x63: {  	v2 =	vadd.s32 v1, v2;
	_ =	sdelay $0x3  }
0x64: {  	s30 =	simm.s32 $0x9800  }
0x65: {  	[tilespmem:s30], [sflag:$0x3] =	stream.indirect_vreg.gather [hbm4b:s1+s5], $0x80, v2, vm0, $0xb8;
	v63 =	vld [tilespmem:$0x0]  }
0x66: {  	s11 =	simm.s32 $0xA000  }
0x67: {  	[tilespmem:s11], [sflag:$0x3] =	stream.indirect_vreg.gather [hbm4b:s9+s5], $0x80, v2, vm0, $0xb8;
	v63 =	vld [tilespmem:$0x0]  }
0x68: {  	s12 =	simm.s32 $0xA800  }
0x69: {  	[tilespmem:s12], [sflag:$0x3] =	stream.indirect_vreg.gather [hbm4b:s10+s5], $0x80, v2, vm0, $0xb8;
	v63 =	vld [tilespmem:$0x0]  }
0x6a: {  	s13 =	rddreg [dreg:$0x8];
	s14 =	simm.s32 $0x1B800  }
0x6b: {  	[tilespmem:s14], [sflag:$0xB] =	stream.strided.gather [hbm4b:s13+s26], $0xC00, s28, s26, $0x38;
	v63 =	vld [tilespmem:$0x0]  }
0x6c: {  	v2 =	vld.msk [tilespmem:$0x180], $0xff;
	_ =	sdelay $0x4  }
0x6d: {  	v3 =	vshrl.u32 v2, $0x3  }
0x6e: {  	v3 =	vmul.u32 $0x30, v3  }
0x6f: {  	v2 =	vand.u32 $0x7, v2  }
0x70: {  	v2 =	vor.u32 v2, v3  }
0x71: {  	v2 =	vperm.xlane v2, v0;
	_ =	sdelay $0x1  }
0x72: {  	v2 =	vadd.s32 v1, v2;
	_ =	sdelay $0x3  }
0x73: {  	s15 =	simm.s32 $0xB000  }
0x74: {  	[tilespmem:s15], [sflag:$0x4] =	stream.indirect_vreg.gather [hbm4b:s1+s5], $0x80, v2, vm0, $0xb8;
	v63 =	vld [tilespmem:$0x0]  }
0x75: {  	s16 =	simm.s32 $0xB800  }
0x76: {  	[tilespmem:s16], [sflag:$0x4] =	stream.indirect_vreg.gather [hbm4b:s9+s5], $0x80, v2, vm0, $0xb8;
	v63 =	vld [tilespmem:$0x0]  }
0x77: {  	s17 =	simm.s32 $0xC000  }
0x78: {  	[tilespmem:s17], [sflag:$0x4] =	stream.indirect_vreg.gather [hbm4b:s10+s5], $0x80, v2, vm0, $0xb8;
	v63 =	vld [tilespmem:$0x0]  }
0x79: {  	v2 =	vld.msk [tilespmem:$0x188], $0xff;
	_ =	sdelay $0x4  }
0x7a: {  	v3 =	vshrl.u32 v2, $0x3  }
0x7b: {  	v3 =	vmul.u32 $0x30, v3  }
0x7c: {  	v2 =	vand.u32 $0x7, v2  }
0x7d: {  	v2 =	vor.u32 v2, v3  }
0x7e: {  	v2 =	vperm.xlane v2, v0;
	_ =	sdelay $0x1  }
0x7f: {  	v2 =	vadd.s32 v1, v2;
	_ =	sdelay $0x3  }
0x80: {  	s18 =	simm.s32 $0xC800  }
0x81: {  	[tilespmem:s18], [sflag:$0x4] =	stream.indirect_vreg.gather [hbm4b:s1+s5], $0x80, v2, vm0, $0xb8;
	v63 =	vld [tilespmem:$0x0]  }
0x82: {  	s19 =	simm.s32 $0xD000  }
0x83: {  	[tilespmem:s19], [sflag:$0x4] =	stream.indirect_vreg.gather [hbm4b:s9+s5], $0x80, v2, vm0, $0xb8;
	v63 =	vld [tilespmem:$0x0]  }
0x84: {  	s24 =	simm.s32 $0xD800  }
0x85: {  	[tilespmem:s24], [sflag:$0x4] =	stream.indirect_vreg.gather [hbm4b:s10+s5], $0x80, v2, vm0, $0xb8;
	v63 =	vld [tilespmem:$0x0]  }
0x86: {  	s29 =	rddreg [dreg:$0x9];
	s30 =	simm.s32 $0x1C400  }
0x87: {  	[tilespmem:s30], [sflag:$0xC] =	stream.strided.gather [hbm4b:s29+s26], $0xC00, s28, s26, $0x38;
	v63 =	vld [tilespmem:$0x0]  }
0x88: {  	v2 =	vld.msk [tilespmem:$0x200], $0xff;
	_ =	sdelay $0x4  }
0x89: {  	v3 =	vshrl.u32 v2, $0x3  }
0x8a: {  	v3 =	vmul.u32 $0x30, v3  }
0x8b: {  	v2 =	vand.u32 $0x7, v2  }
0x8c: {  	v2 =	vor.u32 v2, v3  }
0x8d: {  	v2 =	vperm.xlane v2, v0;
	_ =	sdelay $0x1  }
0x8e: {  	v2 =	vadd.s32 v1, v2;
	_ =	sdelay $0x3  }
0x8f: {  	s11 =	simm.s32 $0xE000  }
0x90: {  	[tilespmem:s11], [sflag:$0x5] =	stream.indirect_vreg.gather [hbm4b:s1+s5], $0x80, v2, vm0, $0xb8;
	v63 =	vld [tilespmem:$0x0]  }
0x91: {  	s12 =	simm.s32 $0xE800  }
0x92: {  	[tilespmem:s12], [sflag:$0x5] =	stream.indirect_vreg.gather [hbm4b:s9+s5], $0x80, v2, vm0, $0xb8;
	v63 =	vld [tilespmem:$0x0]  }
0x93: {  	s13 =	simm.s32 $0xF000  }
0x94: {  	[tilespmem:s13], [sflag:$0x5] =	stream.indirect_vreg.gather [hbm4b:s10+s5], $0x80, v2, vm0, $0xb8;
	v63 =	vld [tilespmem:$0x0]  }
0x95: {  	v2 =	vld.msk [tilespmem:$0x208], $0xff;
	_ =	sdelay $0x4  }
0x96: {  	v3 =	vshrl.u32 v2, $0x3  }
0x97: {  	v3 =	vmul.u32 $0x30, v3  }
0x98: {  	v2 =	vand.u32 $0x7, v2  }
0x99: {  	v2 =	vor.u32 v2, v3  }
0x9a: {  	v2 =	vperm.xlane v2, v0;
	_ =	sdelay $0x1  }
0x9b: {  	v2 =	vadd.s32 v1, v2;
	_ =	sdelay $0x3  }
0x9c: {  	s14 =	simm.s32 $0xF800  }
0x9d: {  	[tilespmem:s14], [sflag:$0x5] =	stream.indirect_vreg.gather [hbm4b:s1+s5], $0x80, v2, vm0, $0xb8;
	v63 =	vld [tilespmem:$0x0]  }
0x9e: {  	s15 =	simm.s32 $0x10000  }
0x9f: {  	[tilespmem:s15], [sflag:$0x5] =	stream.indirect_vreg.gather [hbm4b:s9+s5], $0x80, v2, vm0, $0xb8;
	v63 =	vld [tilespmem:$0x0]  }
0xa0: {  	s16 =	simm.s32 $0x10800  }
0xa1: {  	[tilespmem:s16], [sflag:$0x5] =	stream.indirect_vreg.gather [hbm4b:s10+s5], $0x80, v2, vm0, $0xb8;
	v63 =	vld [tilespmem:$0x0]  }
0xa2: {  	s17 =	rddreg [dreg:$0xa];
	s18 =	simm.s32 $0x1D000  }
0xa3: {  	[tilespmem:s18], [sflag:$0xD] =	stream.strided.gather [hbm4b:s17+s26], $0xC00, s28, s26, $0x38;
	v63 =	vld [tilespmem:$0x0]  }
0xa4: {  	v2 =	vld.msk [tilespmem:$0x280], $0xff;
	_ =	sdelay $0x4  }
0xa5: {  	v3 =	vshrl.u32 v2, $0x3  }
0xa6: {  	v3 =	vmul.u32 $0x30, v3  }
0xa7: {  	v2 =	vand.u32 $0x7, v2  }
0xa8: {  	v2 =	vor.u32 v2, v3  }
0xa9: {  	v2 =	vperm.xlane v2, v0;
	_ =	sdelay $0x1  }
0xaa: {  	v2 =	vadd.s32 v1, v2;
	_ =	sdelay $0x3  }
0xab: {  	s19 =	simm.s32 $0x11000  }
0xac: {  	[tilespmem:s19], [sflag:$0x6] =	stream.indirect_vreg.gather [hbm4b:s1+s5], $0x80, v2, vm0, $0xb8;
	v63 =	vld [tilespmem:$0x0]  }
0xad: {  	s24 =	simm.s32 $0x11800  }
0xae: {  	[tilespmem:s24], [sflag:$0x6] =	stream.indirect_vreg.gather [hbm4b:s9+s5], $0x80, v2, vm0, $0xb8;
	v63 =	vld [tilespmem:$0x0]  }
0xaf: {  	s29 =	simm.s32 $0x12000  }
0xb0: {  	[tilespmem:s29], [sflag:$0x6] =	stream.indirect_vreg.gather [hbm4b:s10+s5], $0x80, v2, vm0, $0xb8;
	v63 =	vld [tilespmem:$0x0]  }
0xb1: {  	v2 =	vld.msk [tilespmem:$0x288], $0xff;
	_ =	sdelay $0x4  }
0xb2: {  	v3 =	vshrl.u32 v2, $0x3  }
0xb3: {  	v3 =	vmul.u32 $0x30, v3  }
0xb4: {  	v2 =	vand.u32 $0x7, v2  }
0xb5: {  	v2 =	vor.u32 v2, v3  }
0xb6: {  	v2 =	vperm.xlane v2, v0;
	_ =	sdelay $0x1  }
0xb7: {  	v2 =	vadd.s32 v1, v2;
	_ =	sdelay $0x3  }
0xb8: {  	s30 =	simm.s32 $0x12800  }
0xb9: {  	[tilespmem:s30], [sflag:$0x6] =	stream.indirect_vreg.gather [hbm4b:s1+s5], $0x80, v2, vm0, $0xb8;
	v63 =	vld [tilespmem:$0x0]  }
0xba: {  	s11 =	simm.s32 $0x13000  }
0xbb: {  	[tilespmem:s11], [sflag:$0x6] =	stream.indirect_vreg.gather [hbm4b:s9+s5], $0x80, v2, vm0, $0xb8;
	v63 =	vld [tilespmem:$0x0]  }
0xbc: {  	s12 =	simm.s32 $0x13800  }
0xbd: {  	[tilespmem:s12], [sflag:$0x6] =	stream.indirect_vreg.gather [hbm4b:s10+s5], $0x80, v2, vm0, $0xb8;
	v63 =	vld [tilespmem:$0x0]  }
0xbe: {  	s13 =	rddreg [dreg:$0xb];
	s14 =	simm.s32 $0x1DC00  }
0xbf: {  	[tilespmem:s14], [sflag:$0xE] =	stream.strided.gather [hbm4b:s13+s26], $0xC00, s28, s26, $0x38;
	v63 =	vld [tilespmem:$0x0]  }
0xc0: {  	v2 =	vld.msk [tilespmem:$0x300], $0xff;
	_ =	sdelay $0x4  }
0xc1: {  	v3 =	vshrl.u32 v2, $0x3  }
0xc2: {  	v3 =	vmul.u32 $0x30, v3  }
0xc3: {  	v2 =	vand.u32 $0x7, v2  }
0xc4: {  	v2 =	vor.u32 v2, v3  }
0xc5: {  	v2 =	vperm.xlane v2, v0;
	_ =	sdelay $0x1  }
0xc6: {  	v2 =	vadd.s32 v1, v2;
	_ =	sdelay $0x3  }
0xc7: {  	s15 =	simm.s32 $0x14000  }
0xc8: {  	[tilespmem:s15], [sflag:$0x7] =	stream.indirect_vreg.gather [hbm4b:s1+s5], $0x80, v2, vm0, $0xb8;
	v63 =	vld [tilespmem:$0x0]  }
0xc9: {  	s16 =	simm.s32 $0x14800  }
0xca: {  	[tilespmem:s16], [sflag:$0x7] =	stream.indirect_vreg.gather [hbm4b:s9+s5], $0x80, v2, vm0, $0xb8;
	v63 =	vld [tilespmem:$0x0]  }
0xcb: {  	s17 =	simm.s32 $0x15000  }
0xcc: {  	[tilespmem:s17], [sflag:$0x7] =	stream.indirect_vreg.gather [hbm4b:s10+s5], $0x80, v2, vm0, $0xb8;
	v63 =	vld [tilespmem:$0x0]  }
0xcd: {  	v2 =	vld.msk [tilespmem:$0x308], $0xff;
	_ =	sdelay $0x4  }
0xce: {  	v3 =	vshrl.u32 v2, $0x3  }
0xcf: {  	v3 =	vmul.u32 $0x30, v3  }
0xd0: {  	v2 =	vand.u32 $0x7, v2  }
0xd1: {  	v2 =	vor.u32 v2, v3  }
0xd2: {  	v2 =	vperm.xlane v2, v0;
	_ =	sdelay $0x1  }
0xd3: {  	v2 =	vadd.s32 v1, v2;
	_ =	sdelay $0x3  }
0xd4: {  	s18 =	simm.s32 $0x15800  }
0xd5: {  	[tilespmem:s18], [sflag:$0x7] =	stream.indirect_vreg.gather [hbm4b:s1+s5], $0x80, v2, vm0, $0xb8;
	v63 =	vld [tilespmem:$0x0]  }
0xd6: {  	s19 =	simm.s32 $0x16000  }
0xd7: {  	[tilespmem:s19], [sflag:$0x7] =	stream.indirect_vreg.gather [hbm4b:s9+s5], $0x80, v2, vm0, $0xb8;
	v63 =	vld [tilespmem:$0x0]  }
0xd8: {  	s24 =	simm.s32 $0x16800  }
0xd9: {  	[tilespmem:s24], [sflag:$0x7] =	stream.indirect_vreg.gather [hbm4b:s10+s5], $0x80, v2, vm0, $0xb8;
	v63 =	vld [tilespmem:$0x0]  }
0xda: {  	s29 =	rddreg [dreg:$0xc];
	s30 =	simm.s32 $0x1E800;
	s24 =	simm.s32 $0x0  }
0xdb: {  	[tilespmem:s30], [sflag:$0xF] =	stream.strided.gather [hbm4b:s29+s26], $0xC00, s28, s26, $0x38;
	v63 =	vld [tilespmem:$0x0]  }
.LBB2_2:
0xdc: {  	s12 =	sand.u32 $0x7, s24  }
0xdd: {  	s11 =	sadd.s32 $0x1, s12  }
0xde: {  	_ =	swait.ge [sflag:s11], $0x1800  }
0xdf: {  	[sflag:s11] =	ssyncset.done $0x0  }
0xe0: {  	[sflag:s11] =	ssyncadd.s32 $0xFFFFE800  }
0xe1: {  	s8 =	smul.u32 $0x3000, s12;
	_ =	swait.ge [sflag:s11], $0x1800  }
0xe2: {  	s14 =	simm.s32 $0x0;
	s16 =	simm.s32 $0x0;
	[sflag:s11] =	ssyncset.done $0x0  }
0xe3: {  	s19 =	sadd.s32 $0x9, s12;
	s13 =	sshrl.u32 s8, $0x2;
	[sflag:s11] =	ssyncadd.s32 $0xFFFFE800  }
0xe4: {  	s29 =	sand.u32 $0x3FFFFE00, s14;
	s15 =	sadd.s32 $0x1A000, s13;
	_ =	swait.ge [sflag:s19], $0xC00  }
0xe5: {  	s17 =	sand.u32 $0x70, s16;
	s13 =	sadd.s32 s29, s15;
	[sflag:s19] =	ssyncset.done $0x0  }
0xe6: {  	s18 =	sadd.s32 s17, s13;
	[sflag:s19] =	ssyncadd.s32 $0xFFFFF400  }
0xe7: {  	v5 =	vld [tilespmem:s18+$0x0]  }
0xe8: {  	s30 =	simm.s32 $0x0  }
0xe9: {  	s14 =	sadd.s32 $0x2000, s8;
	s11 =	sand.u32 $0xFFFFFC00, s30;
	v4 =	vld [tilespmem:s18+$0x80]  }
0xea: {  	s19 =	sadd.s32 s11, s14;
	v2 =	vld [tilespmem:s18+$0x100]  }
0xeb: {  	s13 =	sadd.s32 $0x3800, s8;
	v3 =	vld [tilespmem:s18+$0x180];
	s19 =	sadd.s32 s17, s19;
	s18 =	simm.s32 $0x1  }
.LBB2_3:
0xec: {  	p0 =	sne.s32 s18, $0x2F;
	[tilespmem:s19+$0x0] =	vst.add.f32.msk $0xffff, v5  }
0xed: {  	[tilespmem:s19+$0x80] =	vst.add.f32.msk $0xffff, v5  }
0xee: {  	[tilespmem:s19+$0x100] =	vst.add.f32.msk $0xffff, v5  }
0xef: {  	[tilespmem:s19+$0x180] =	vst.add.f32.msk $0xffff, v5  }
0xf0: {  	[tilespmem:s19+$0x200] =	vst.add.f32.msk $0xffff, v4  }
0xf1: {  	[tilespmem:s19+$0x280] =	vst.add.f32.msk $0xffff, v4  }
0xf2: {  	s11 =	sadd.s32 s11, s13;
	[tilespmem:s19+$0x300] =	vst.add.f32.msk $0xffff, v4  }
0xf3: {  	s11 =	sadd.s32 s17, s11;
	[tilespmem:s19+$0x380] =	vst.add.f32.msk $0xffff, v4  }
0xf4: {  	[tilespmem:s11+$0x380] =	vst.add.f32.msk $0xffff, v3  }
0xf5: {  	[tilespmem:s11+$0x0] =	vst.add.f32.msk $0xffff, v2  }
0xf6: {  	[tilespmem:s11+$0x100] =	vst.add.f32.msk $0xffff, v2  }
0xf7: {  	[tilespmem:s11+$0x300] =	vst.add.f32.msk $0xffff, v3  }
0xf8: {  	s17 =	sshll.u32 s18, $0x6;
	[tilespmem:s11+$0x280] =	vst.add.f32.msk $0xffff, v3  }
0xf9: {  	s16 =	sadd.s32 $0x10, s16;
	s19 =	sand.u32 $0x3FFFFE00, s17;
	[tilespmem:s11+$0x200] =	vst.add.f32.msk $0xffff, v3  }
0xfa: {  	s17 =	sand.u32 $0x70, s16;
	s19 =	sadd.s32 s19, s15;
	[tilespmem:s11+$0x180] =	vst.add.f32.msk $0xffff, v2  }
0xfb: {  	s19 =	sadd.s32 s17, s19;
	[tilespmem:s11+$0x80] =	vst.add.f32.msk $0xffff, v2  }
.Ltmp0:
0xfc: {  	v5 =	vld [tilespmem:s19+$0x0];
	(pc) =	sbr.rel @p0 .LBB2_3-.Ltmp0, $4  }
0xfd: {  	s11 =	sshll.u32 s18, $0x7  }
0xfe: {  	s11 =	sand.u32 $0xFFFFFC00, s11;
	v4 =	vld [tilespmem:s19+$0x80]  }
0xff: {  	s29 =	sadd.s32 s11, s14;
	v2 =	vld [tilespmem:s19+$0x100]  }
0x100: {  	s18 =	sadd.s32 $0x1, s18;
	v3 =	vld [tilespmem:s19+$0x180];
	s19 =	sadd.s32 s17, s29  }
0x101: {  	[tilespmem:s19+$0x0] =	vst.add.f32.msk $0xffff, v5  }
0x102: {  	[tilespmem:s19+$0x80] =	vst.add.f32.msk $0xffff, v5  }
0x103: {  	[tilespmem:s19+$0x100] =	vst.add.f32.msk $0xffff, v5  }
0x104: {  	[tilespmem:s19+$0x180] =	vst.add.f32.msk $0xffff, v5  }
0x105: {  	[tilespmem:s19+$0x200] =	vst.add.f32.msk $0xffff, v4  }
0x106: {  	[tilespmem:s19+$0x280] =	vst.add.f32.msk $0xffff, v4  }
0x107: {  	s11 =	sadd.s32 s11, s13;
	[tilespmem:s19+$0x300] =	vst.add.f32.msk $0xffff, v4  }
0x108: {  	s11 =	sadd.s32 s17, s11;
	[tilespmem:s19+$0x380] =	vst.add.f32.msk $0xffff, v4  }
0x109: {  	[tilespmem:s11+$0x0] =	vst.add.f32.msk $0xffff, v2  }
0x10a: {  	[tilespmem:s11+$0x100] =	vst.add.f32.msk $0xffff, v2  }
0x10b: {  	[tilespmem:s11+$0x180] =	vst.add.f32.msk $0xffff, v2  }
0x10c: {  	[tilespmem:s11+$0x80] =	vst.add.f32.msk $0xffff, v2  }
0x10d: {  	p0 =	sgt.u32 s24, $0x38;
	[tilespmem:s11+$0x380] =	vst.add.f32.msk $0xffff, v3  }
0x10e: {  	s15 =	sadd.s32 $0x7, s24;
	p1 =	seq.s32 @!p0 s24, $0x0;
	[tilespmem:s11+$0x300] =	vst.add.f32.msk $0xffff, v3  }
0x10f: {  	s16 =	sand.u32 @!p0 $0x7, s15;
	p1 =	por p1, p0;
	[tilespmem:s11+$0x280] =	vst.add.f32.msk $0xffff, v3  }
0x110: {  	[tilespmem:s11+$0x200] =	vst.add.f32.msk $0xffff, v3;
	s11 =	sadd.s32 @!p1 $0x11, s16  }
0x111: {  	_ =	swait.ge @!p1 [sflag:s11], $0x1800  }
0x112: {  	[sflag:s11] =	ssyncset.done @!p1 $0x0  }
0x113: {  	[sflag:s11] =	ssyncadd.s32 @!p1 $0xFFFFE800  }
0x114: {  	_ =	swait.ge @!p1 [sflag:s11], $0x1800  }
0x115: {  	s17 =	sshll.u32 @!p0 s15, $0x9;
	[sflag:s11] =	ssyncset.done @!p1 $0x0  }
0x116: {  	[sflag:s11] =	ssyncadd.s32 @!p1 $0xFFFFE800;
	s11 =	sshrl.u32 @!p0 s17, $0x2  }
0x117: {  	v2 =	vld.msk @!p0 [tilespmem:s11+$0x0], $0xff;
	_ =	sdelay $0x4  }
0x118: {  	v3 =	vshrl.u32 @!p0 v2, $0x3  }
0x119: {  	v3 =	vmul.u32 @!p0 $0x30, v3  }
0x11a: {  	v4 =	vlaneseq.u32 @!p0;
	v2 =	vand.u32 @!p0 $0x7, v2  }
0x11b: {  	v2 =	vor.u32 @!p0 v2, v3;
	v3 =	vand.u32 @!p0 $0x7, v4;
	v4 =	vshrl.u32 @!p0 v4, $0x3  }
0x11c: {  	v2 =	vperm.xlane @!p0 v2, v3;
	v4 =	vmul.u32 @!p0 $0x8, v4;
	_ =	sdelay $0x1  }
0x11d: {  	v2 =	vadd.s32 @!p0 v4, v2;
	_ =	sdelay $0x1  }
0x11e: {  	s18 =	smul.u32 @!p0 $0x3000, s16;
	_ =	sdelay $0x1  }
0x11f: {  	vm1 =	vmmov @!p0 $0xffff;
	s30 =	simm.s32 @!p0 $0x0;
	s29 =	sadd.s32 @!p0 $0x1, s16;
	s19 =	sadd.s32 @!p0 $0x2000, s18  }
0x120: {  	[tilespmem:s19], [sflag:s29] =	stream.indirect_vreg.gather @!p0 [hbm4b:s1+s30], $0x80, v2, vm1, $0xb8;
	v63 =	vld [tilespmem:$0x0]  }
0x121: {  	s19 =	sadd.s32 @!p0 $0x2800, s18  }
0x122: {  	[tilespmem:s19], [sflag:s29] =	stream.indirect_vreg.gather @!p0 [hbm4b:s9+s30], $0x80, v2, vm1, $0xb8;
	v63 =	vld [tilespmem:$0x0]  }
0x123: {  	s11 =	sor.u32 @!p0 $0x8, s11;
	s19 =	sadd.s32 @!p0 $0x3000, s18  }
0x124: {  	[tilespmem:s19], [sflag:s29] =	stream.indirect_vreg.gather @!p0 [hbm4b:s10+s30], $0x80, v2, vm1, $0xb8;
	v63 =	vld [tilespmem:$0x0]  }
0x125: {  	v2 =	vld.msk @!p0 [tilespmem:s11+$0x0], $0xff;
	_ =	sdelay $0x4  }
0x126: {  	v5 =	vshrl.u32 @!p0 v2, $0x3  }
0x127: {  	v5 =	vmul.u32 @!p0 $0x30, v5  }
0x128: {  	v2 =	vand.u32 @!p0 $0x7, v2  }
0x129: {  	v2 =	vor.u32 @!p0 v2, v5  }
0x12a: {  	v2 =	vperm.xlane @!p0 v2, v3;
	_ =	sdelay $0x1  }
0x12b: {  	v2 =	vadd.s32 @!p0 v4, v2;
	_ =	sdelay $0x3  }
0x12c: {  	s11 =	sadd.s32 @!p0 $0x3800, s18  }
0x12d: {  	[tilespmem:s11], [sflag:s29] =	stream.indirect_vreg.gather @!p0 [hbm4b:s1+s30], $0x80, v2, vm1, $0xb8;
	v63 =	vld [tilespmem:$0x0]  }
0x12e: {  	s11 =	sadd.s32 @!p0 $0x4000, s18  }
0x12f: {  	[tilespmem:s11], [sflag:s29] =	stream.indirect_vreg.gather @!p0 [hbm4b:s9+s30], $0x80, v2, vm1, $0xb8;
	v63 =	vld [tilespmem:$0x0]  }
0x130: {  	s11 =	sadd.s32 @!p0 $0x4800, s18  }
0x131: {  	[tilespmem:s11], [sflag:s29] =	stream.indirect_vreg.gather @!p0 [hbm4b:s10+s30], $0x80, v2, vm1, $0xb8;
	v63 =	vld [tilespmem:$0x0]  }
0x132: {  	s11 =	sshll.u32 @!p0 s15, $0x2  }
0x133: {  	s11 =	sadd.s32 @!p0 s7, s11  }
0x134: {  	s11 =	sshrl.u32 @!p0 s11, $0x3  }
0x135: {  	s29 =	sshll.u32 s24, $0x4;
	s11 =	smul.u32 @!p0 $0x1800, s11  }
0x136: {  	s16 =	sadd.s32 @!p0 $0x9, s16;
	s15 =	sand.u32 @!p0 $0x200, s17;
	s17 =	sadd.s32 s6, s29  }
0x137: {  	s19 =	simm.s32 @!p0 $0x400;
	s17 =	sshrl.u32 s17, $0x2;
	s11 =	sor.u32 @!p0 s15, s11  }
0x138: {  	s30 =	smul.u32 $0x180, s17;
	s15 =	sshrl.u32 @!p0 s18, $0x2;
	s11 =	sshrl.u32 @!p0 s11, $0x3  }
0x139: {  	s18 =	simm.s32 @!p0 $0x200;
	s15 =	sadd.s32 @!p0 $0x1A000, s15;
	s11 =	sadd.s32 @!p0 s3, s11  }
0x13a: {  	[tilespmem:s15], [sflag:s16] =	stream.strided.gather @!p0 [hbm4b:s11+s18], $0xC00, s19, s18, $0x38;
	v63 =	vld [tilespmem:$0x0]  }
0x13b: {  	s11 =	sadd.s32 $0x11, s12;
	s12 =	sadd.s32 s4, s30  }
0x13c: {  	[hbm4b:s12+s26] =	stream.strided.scatter [tilespmem:s14], [sflag:s11], $0x400, s25, s26, $0x38;
	v63 =	vld [tilespmem:$0x0]  }
0x13d: {  	s29 =	sadd.s32 $0x2400, s8;
	s30 =	sadd.s32 $0x40, s12  }
0x13e: {  	[hbm4b:s30+s26] =	stream.strided.scatter [tilespmem:s29], [sflag:s11], $0x400, s25, s26, $0x38;
	v63 =	vld [tilespmem:$0x0]  }
0x13f: {  	s15 =	sadd.s32 $0x2800, s8;
	s16 =	sadd.s32 $0x80, s12  }
0x140: {  	[hbm4b:s16+s26] =	stream.strided.scatter [tilespmem:s15], [sflag:s11], $0x400, s25, s26, $0x38;
	v63 =	vld [tilespmem:$0x0]  }
0x141: {  	s18 =	sadd.s32 $0x2C00, s8;
	s19 =	sadd.s32 $0xC0, s12  }
0x142: {  	[hbm4b:s19+s26] =	stream.strided.scatter [tilespmem:s18], [sflag:s11], $0x400, s25, s26, $0x38;
	v63 =	vld [tilespmem:$0x0]  }
0x143: {  	s17 =	smul.u32 $0xC00, s17;
	s29 =	sadd.s32 $0x3000, s8;
	s30 =	sadd.s32 $0x100, s12  }
0x144: {  	[hbm4b:s30+s26] =	stream.strided.scatter [tilespmem:s29], [sflag:s11], $0x400, s25, s26, $0x38;
	v63 =	vld [tilespmem:$0x0]  }
0x145: {  	s12 =	sadd.s32 $0x140, s12;
	s16 =	sadd.s32 $0x3400, s8;
	s18 =	sshrl.u32 s17, $0x3  }
0x146: {  	[hbm4b:s12+s26] =	stream.strided.scatter [tilespmem:s16], [sflag:s11], $0x400, s25, s26, $0x38;
	v63 =	vld [tilespmem:$0x0]  }
0x147: {  	s12 =	sadd.s32 s4, s18  }
0x148: {  	s19 =	sadd.s32 $0x300, s12  }
0x149: {  	[hbm4b:s19+s26] =	stream.strided.scatter [tilespmem:s13], [sflag:s11], $0x400, s25, s26, $0x38;
	v63 =	vld [tilespmem:$0x0]  }
0x14a: {  	s29 =	sadd.s32 $0x3C00, s8;
	s30 =	sadd.s32 $0x340, s12  }
0x14b: {  	[hbm4b:s30+s26] =	stream.strided.scatter [tilespmem:s29], [sflag:s11], $0x400, s25, s26, $0x38;
	v63 =	vld [tilespmem:$0x0]  }
0x14c: {  	s24 =	sadd.s32 $0x1, s24;
	s15 =	sadd.s32 $0x4000, s8;
	s16 =	sadd.s32 $0x380, s12  }
0x14d: {  	[hbm4b:s16+s26] =	stream.strided.scatter [tilespmem:s15], [sflag:s11], $0x400, s25, s26, $0x38;
	v63 =	vld [tilespmem:$0x0]  }
0x14e: {  	p0 =	sne.s32 s24, $0x40;
	s17 =	sadd.s32 $0x4400, s8;
	s18 =	sadd.s32 $0x3C0, s12  }
0x14f: {  	[hbm4b:s18+s26] =	stream.strided.scatter [tilespmem:s17], [sflag:s11], $0x400, s25, s26, $0x38;
	v63 =	vld [tilespmem:$0x0]  }
.Ltmp1:
0x150: {  	_ = 	snop;
	(pc) =	sbr.rel @p0 .LBB2_2-.Ltmp1, $4  }
0x151: {  	s19 =	sadd.s32 $0x4800, s8;
	s29 =	sadd.s32 $0x400, s12  }
0x152: {  	[hbm4b:s29+s26] =	stream.strided.scatter [tilespmem:s19], [sflag:s11], $0x400, s25, s26, $0x38;
	v63 =	vld [tilespmem:$0x0]  }
0x153: {  	s30 =	sadd.s32 $0x4C00, s8;
	s12 =	sadd.s32 $0x440, s12  }
0x154: {  	[hbm4b:s12+s26] =	stream.strided.scatter [tilespmem:s30], [sflag:s11], $0x400, s25, s26, $0x38;
	v63 =	vld [tilespmem:$0x0]  }
0x155: {  	s8 =	simm.s32 $0x11  }
0x156: {  	_ =	swait.ge [sflag:s8], $0x1800  }
0x157: {  	[sflag:s8] =	ssyncset.done $0x0  }
0x158: {  	[sflag:s8] =	ssyncadd.s32 $0xFFFFE800  }
0x159: {  	_ =	swait.ge [sflag:s8], $0x1800  }
0x15a: {  	[sflag:s8] =	ssyncset.done $0x0  }
0x15b: {  	s29 =	simm.s32 $0x12;
	[sflag:s8] =	ssyncadd.s32 $0xFFFFE800  }
0x15c: {  	_ =	swait.ge [sflag:s29], $0x1800  }
0x15d: {  	[sflag:s29] =	ssyncset.done $0x0  }
0x15e: {  	[sflag:s29] =	ssyncadd.s32 $0xFFFFE800  }
0x15f: {  	_ =	swait.ge [sflag:s29], $0x1800  }
0x160: {  	[sflag:s29] =	ssyncset.done $0x0  }
0x161: {  	[sflag:s29] =	ssyncadd.s32 $0xFFFFE800  }
0x162: {  	_ =	swait.ge [sflag:s31], $0x1800  }
0x163: {  	[sflag:s31] =	ssyncset.done $0x0  }
0x164: {  	[sflag:s31] =	ssyncadd.s32 $0xFFFFE800  }
0x165: {  	_ =	swait.ge [sflag:s31], $0x1800  }
0x166: {  	[sflag:s31] =	ssyncset.done $0x0  }
0x167: {  	[sflag:s31] =	ssyncadd.s32 $0xFFFFE800  }
0x168: {  	_ =	swait.ge [sflag:s0], $0x1800  }
0x169: {  	[sflag:s0] =	ssyncset.done $0x0  }
0x16a: {  	[sflag:s0] =	ssyncadd.s32 $0xFFFFE800  }
0x16b: {  	_ =	swait.ge [sflag:s0], $0x1800  }
0x16c: {  	[sflag:s0] =	ssyncset.done $0x0  }
0x16d: {  	[sflag:s0] =	ssyncadd.s32 $0xFFFFE800  }
0x16e: {  	_ =	swait.ge [sflag:s2], $0x1800  }
0x16f: {  	[sflag:s2] =	ssyncset.done $0x0  }
0x170: {  	[sflag:s2] =	ssyncadd.s32 $0xFFFFE800  }
0x171: {  	_ =	swait.ge [sflag:s2], $0x1800  }
0x172: {  	[sflag:s2] =	ssyncset.done $0x0  }
0x173: {  	[sflag:s2] =	ssyncadd.s32 $0xFFFFE800  }
0x174: {  	_ =	swait.ge [sflag:s20], $0x1800  }
0x175: {  	[sflag:s20] =	ssyncset.done $0x0  }
0x176: {  	[sflag:s20] =	ssyncadd.s32 $0xFFFFE800  }
0x177: {  	_ =	swait.ge [sflag:s20], $0x1800  }
0x178: {  	[sflag:s20] =	ssyncset.done $0x0  }
0x179: {  	[sflag:s20] =	ssyncadd.s32 $0xFFFFE800  }
0x17a: {  	_ =	swait.ge [sflag:s21], $0x1800  }
0x17b: {  	[sflag:s21] =	ssyncset.done $0x0  }
0x17c: {  	[sflag:s21] =	ssyncadd.s32 $0xFFFFE800  }
0x17d: {  	_ =	swait.ge [sflag:s21], $0x1800  }
0x17e: {  	[sflag:s21] =	ssyncset.done $0x0  }
0x17f: {  	[sflag:s21] =	ssyncadd.s32 $0xFFFFE800  }
0x180: {  	_ =	swait.ge [sflag:s22], $0x1800  }
0x181: {  	[sflag:s22] =	ssyncset.done $0x0  }
0x182: {  	[sflag:s22] =	ssyncadd.s32 $0xFFFFE800  }
0x183: {  	_ =	swait.ge [sflag:s22], $0x1800  }
0x184: {  	s23 =	sadd.s32 $0x1, s23;
	s30 =	rddreg [dreg:$0xd]  }
0x185: {  	p0 =	sne.s32 s23, s30  }
.Ltmp2:
0x186: {  	_ = 	snop;
	(pc) =	sbr.rel @p0 .LBB2_1-.Ltmp2, $3  }
0x187: {  	_ =	sdelay $0x1  }
0x188: {  	[sflag:s22] =	ssyncset.done $0x0  }
0x189: {  	[sflag:s22] =	ssyncadd.s32 $0xFFFFE800  }
0x18a: {  	_ =	sfence.sel $0x180000  }
0x18b: {  	[bflag:$0x0] =	sbarrier.arrive $0xFFFF  }
0x18c: {  	_ =	strace $0x90000047  }
0x18d: {  	s0 =	stileid.u32;
	[bflag:$0x2] =	sbarrier.arrive $0xFFFF  }
0x18e: {  	p0 =	sne.s32 s0, $0x0;
	s0 =	rddreg [dreg:$0x4]  }
0x18f: {  	s0 =	sadd.s32 @!p0 $0x100000, s0  }
0x190: {  	[sflag:s0] =	ssyncadd.tile.s32 @!p0 $0x1;
	_ =	shalt  }
.Lfunc_end2:
_tile_overlayer_lowered:
.L_overlay_start_2:
0x191: {  	(tag) =	ssettag $0x2  }
0x192: {  	s0 =	rddreg [dreg:$0x0];
	s2 =	stileid.u32  }
0x193: {  	s1 =	rddreg [dreg:$0x1];
	p0 =	sne.s32 s2, $0x0  }
0x194: {  	s3 =	rddreg [dreg:$0x2];
	[bflag:$0x3] =	sbarrier.arrive $0xFFFF;
	s2 =	simm.s32 @!p0 $0x1C19  }
0x195: {  	[timem:s3], [sflag:s2] =	dma.local @!p0 [hbm:s0], s1  }
0x196: {  	s0 =	simm.s32 @!p0 $0x19  }
0x197: {  	_ =	swait.ge @!p0 [sflag:s0], s1  }
0x198: {  	s1 =	ssub.s32 @!p0 $0x0, s1;
	[sflag:s0] =	ssyncset.done @!p0 $0x0  }
0x199: {  	[sflag:s0] =	ssyncadd.s32 @!p0 s1  }
0x19a: {  	[bflag:$0x3] =	sbarrier.arrive $0xFFFF  }
0x19b: {  	_ =	shalt  }

</sc_bundles>
